<compile_context>
chip_gen: v7x
topology: tpu7x:2x2x1
jax: 0.10.2.dev20260603
libtpu: 0.0.44.dev20260713+nightly
codegen_flags: <defaults>
</compile_context>

<pallas_src>
import functools

import jax
import jax.numpy as jnp
from jax import lax
from jax.experimental import pallas as pl
from jax.experimental.pallas import tpu as pltpu
from jax.experimental.pallas import tpu_sc as plsc

_STRIDES = (8, 16, 32)
_NS = (80, 40, 20)
_BASES = (0, 6400, 8000)
_B = 16
_M = 64
_N = 8400
_NCLS = 80
_LOC = 4224


def _phase_a_body(gtc_ref, mgt_ref, idx_ref, val_ref):
    gtc = gtc_ref[...]
    x0, y0, x1, y1 = gtc[0], gtc[1], gtc[2], gtc[3]
    gcx = (x0 + x1) / 2
    gcy = (y0 + y1) / 2
    gt_area = (x1 - x0) * (y1 - y0)
    mgt = mgt_ref[...] > 0.0

    c_iota = lax.broadcasted_iota(jnp.int32, (1, 25, 1), 1)
    dyv = c_iota // 5
    dxv = c_iota % 5
    r_iota = lax.broadcasted_iota(jnp.int32, (1, 1, 9, 1), 2)

    idx_lv, iou_lv, cig_lv = [], [], []
    for s, n, base in zip(_STRIDES, _NS, _BASES):
        inv_s = jnp.float32(1.0 / s)
        cx0 = jnp.clip(jnp.floor(gcx * inv_s).astype(jnp.int32) - 2, 0, n - 5)
        cy0 = jnp.clip(jnp.floor(gcy * inv_s).astype(jnp.int32) - 2, 0, n - 5)
        col = cx0[:, None, :] + dxv
        row = cy0[:, None, :] + dyv
        lidx = row * n + col
        acx = (col.astype(jnp.float32) + 0.5) * s
        acy = (row.astype(jnp.float32) + 0.5) * s
        ddx = acx - gcx[:, None, :]
        ddy = acy - gcy[:, None, :]
        d = jnp.sqrt(ddx * ddx + ddy * ddy)
        dl, dr = d[:, :, None, :], d[:, None, :, :]
        il, ir = lidx[:, :, None, :], lidx[:, None, :, :]
        smaller = (dr < dl) | ((dr == dl) & (ir < il))
        rank = jnp.sum(smaller.astype(jnp.int32), axis=2)
        sel = rank < 9
        half = jnp.float32(2.5 * s)
        ax0, ay0 = acx - half, acy - half
        ax1, ay1 = acx + half, acy + half
        area1 = (ax1 - ax0) * (ay1 - ay0)
        ix1 = jnp.maximum(ax0, x0[:, None, :])
        iy1 = jnp.maximum(ay0, y0[:, None, :])
        ix2 = jnp.minimum(ax1, x1[:, None, :])
        iy2 = jnp.minimum(ay1, y1[:, None, :])
        inter = jnp.clip(ix2 - ix1, 0) * jnp.clip(iy2 - iy1, 0)
        union = area1 + gt_area[:, None, :] - inter
        iou = inter / (union + jnp.float32(1e-9))
        cig = ((acx >= x0[:, None, :]) & (acx <= x1[:, None, :])
               & (acy >= y0[:, None, :]) & (acy <= y1[:, None, :]))
        eq = (rank[:, :, None, :] == r_iota) & sel[:, :, None, :]
        eqf = eq.astype(jnp.float32)
        iou_lv.append(jnp.sum(iou[:, :, None, :] * eqf, axis=1))
        idx_lv.append(jnp.sum((lidx[:, :, None, :] + base) * eq.astype(jnp.int32), axis=1))
        cig_lv.append(jnp.sum((cig[:, :, None, :] & eq).astype(jnp.int32), axis=1))

    iou27 = jnp.concatenate(iou_lv, axis=1)
    idx27 = jnp.concatenate(idx_lv, axis=1)
    cig27 = jnp.concatenate(cig_lv, axis=1) > 0
    mean = jnp.sum(iou27, axis=1) / 27.0
    sqmean = jnp.sum(iou27 * iou27, axis=1) / 27.0
    std = jnp.sqrt(jnp.clip(sqmean - mean * mean, 0.0))
    thr = mean + std
    pos = (iou27 >= thr[:, None, :]) & cig27 & mgt[:, None, :]
    val = jnp.where(pos, iou27, 0.0)
    zf = jnp.zeros((_B, 5, _M), jnp.float32)
    zi = jnp.zeros((_B, 5, _M), jnp.int32)
    idx32 = jnp.concatenate([idx27, zi], axis=1)
    val32 = jnp.concatenate([val, zf], axis=1)
    idx_ref[...] = jnp.transpose(idx32, (0, 2, 1))
    val_ref[...] = jnp.transpose(val32, (0, 2, 1))


_phase_a = pl.pallas_call(
    _phase_a_body,
    out_shape=[
        jax.ShapeDtypeStruct((_B, _M, 32), jnp.int32),
        jax.ShapeDtypeStruct((_B, _M, 32), jnp.float32),
    ],
)


def _phase_b_body(idx_hbm, val_hbm, gtt_hbm, pk_hbm, ci, cv, gt, st, bm_v):
    b = lax.axis_index("s")
    h = lax.axis_index("c")
    wid = b * 2 + h
    base = h * _LOC
    pltpu.sync_copy(idx_hbm.at[b], ci)
    pltpu.sync_copy(val_hbm.at[b], cv)
    pltpu.sync_copy(gtt_hbm.at[b], gt)
    zf = jnp.zeros((16,), jnp.float32)
    zi = jnp.zeros((16,), jnp.int32)
    z16 = jnp.zeros((16,), jnp.int32)

    @plsc.parallel_loop(0, _LOC // 16, unroll=8)
    def _init(i):
        st[0, pl.ds(i * 16, 16)] = zf
        bm_v[pl.ds(i * 16, 16)] = zi

    def _scan_m(m, carry):
        mg = jnp.full((16,), m, jnp.int32)
        for v in range(2):
            off = m * 32 + v * 16
            i0 = ci[pl.ds(off, 16)]
            v0 = cv[pl.ds(off, 16)]
            il = i0 - base
            inr = (il >= 0) & (il < _LOC)
            ilc = jnp.clip(il, 0, _LOC - 1)
            old = plsc.load_gather(st, [z16, ilc], mask=inr)
            take = inr & (v0 > old)
            plsc.store_scatter(st, [z16, ilc], v0, mask=take)
            plsc.store_scatter(bm_v, [ilc], mg, mask=take)
        return carry

    lax.fori_loop(0, _M, _scan_m, 0, unroll=2)

    @plsc.parallel_loop(0, _LOC // 16, unroll=8)
    def _gather(i):
        sl = pl.ds(i * 16, 16)
        mv = bm_v[sl]
        for q in range(5):
            st[q + 1, sl] = plsc.load_gather(
                gt, [jnp.full((16,), q, jnp.int32), mv])
    pltpu.sync_copy(st, pk_hbm.at[wid])


@functools.lru_cache(maxsize=1)
def _get_phase_b():
    return functools.partial(
        pl.kernel,
        out_type=jax.ShapeDtypeStruct((2 * _B, 8, _LOC), jnp.float32),
        mesh=plsc.VectorSubcoreMesh(core_axis_name="c", subcore_axis_name="s"),
        compiler_params=pltpu.CompilerParams(needs_layout_passes=False),
        scratch_types=[
            pltpu.VMEM((2048,), jnp.int32),
            pltpu.VMEM((2048,), jnp.float32),
            pltpu.VMEM((8, _M), jnp.float32),
            pltpu.VMEM((8, _LOC), jnp.float32),
            pltpu.VMEM((_LOC,), jnp.int32),
        ],
    )(_phase_b_body)


_REM = _N - _LOC


def _stitch(x):
    return jnp.concatenate([x[0:1, :], x[1:2, 0:_REM]], axis=1)


def _phase_c_body(pk_ref, predt_ref, lab_ref, fg_ref, boxo_ref, sco_ref):
    pk = pk_ref[...]
    v = _stitch(pk[:, 0, :])
    fgf = (v > 0.0).astype(jnp.float32)
    gx0 = _stitch(pk[:, 1, :])
    gy0 = _stitch(pk[:, 2, :])
    gx1 = _stitch(pk[:, 3, :])
    gy1 = _stitch(pk[:, 4, :])
    labf = _stitch(pk[:, 5, :])
    pred = predt_ref[0]
    px0, py0 = pred[0:1, :], pred[1:2, :]
    px1, py1 = pred[2:3, :], pred[3:4, :]
    area1 = (px1 - px0) * (py1 - py0)
    area2 = (gx1 - gx0) * (gy1 - gy0)
    ix1 = jnp.maximum(px0, gx0)
    iy1 = jnp.maximum(py0, gy0)
    ix2 = jnp.minimum(px1, gx1)
    iy2 = jnp.minimum(py1, gy1)
    inter = jnp.clip(ix2 - ix1, 0) * jnp.clip(iy2 - iy1, 0)
    union = area1 + area2 - inter
    piou = inter / (union + jnp.float32(1e-9))
    a_iou = (v * fgf) * (piou * fgf)
    labm = labf * fgf
    lab_ref[0] = labm.astype(jnp.int32)
    fg_ref[0] = (v > 0.0).astype(jnp.int32)
    boxo_ref[0] = jnp.concatenate(
        [gx0 * fgf, gy0 * fgf, gx1 * fgf, gy1 * fgf], axis=0)
    iota80c = lax.broadcasted_iota(jnp.int32, (_NCLS, 1), 0)
    sco_ref[0] = (labm.astype(jnp.int32) == iota80c).astype(jnp.float32) * a_iou


_phase_c = pl.pallas_call(
    _phase_c_body,
    grid=(_B,),
    in_specs=[
        pl.BlockSpec((2, 8, _LOC), lambda b: (b, 0, 0)),
        pl.BlockSpec((1, 4, _N), lambda b: (b, 0, 0)),
    ],
    out_specs=[
        pl.BlockSpec((1, 1, _N), lambda b: (b, 0, 0)),
        pl.BlockSpec((1, 1, _N), lambda b: (b, 0, 0)),
        pl.BlockSpec((1, 4, _N), lambda b: (b, 0, 0)),
        pl.BlockSpec((1, _NCLS, _N), lambda b: (b, 0, 0)),
    ],
    out_shape=[
        jax.ShapeDtypeStruct((_B, 1, _N), jnp.int32),
        jax.ShapeDtypeStruct((_B, 1, _N), jnp.int32),
        jax.ShapeDtypeStruct((_B, 4, _N), jnp.float32),
        jax.ShapeDtypeStruct((_B, _NCLS, _N), jnp.float32),
    ],
)


def kernel(anchor_bboxes, gt_labels, gt_bboxes, mask_gt, pred_bboxes):
    del anchor_bboxes
    gtc = jnp.transpose(gt_bboxes, (2, 0, 1))
    mgt = mask_gt[..., 0]
    cand_idx, cand_val = _phase_a(gtc, mgt)
    tci = cand_idx.reshape(_B, 2048)
    tcv = cand_val.reshape(_B, 2048)
    labels_f = gt_labels[..., 0].astype(jnp.float32)
    gtt = jnp.concatenate(
        [jnp.transpose(gt_bboxes, (0, 2, 1)), labels_f[:, None, :],
         jnp.zeros((_B, 3, _M), jnp.float32)], axis=1)
    pk = _get_phase_b()(tci, tcv, gtt)
    predt = jnp.transpose(pred_bboxes, (0, 2, 1))
    lab, fgi, box_t, sco_t = _phase_c(pk, predt)
    box = jnp.transpose(box_t, (0, 2, 1))
    scores = jnp.transpose(sco_t, (0, 2, 1))
    return lab[:, 0, :], box, scores, fgi[:, 0, :] != 0

# --- scband reference (transcript-rebuilt; emitter-appended) ---
"""Pipeline reference for scband-ppyolo-eloss-45397804319344 (READ-ONLY COPY).

The authoritative reference and input builder live on the scoring server;
editing this copy changes nothing except your own understanding.
"""

import jax, jax.numpy as jnp
import numpy as np

LEVELS = [6400, 1600, 400]
TOPK = 9
NUM_CLASSES = 80


def batch_bbox_iou(box1, box2, eps=1e-9):
    # box1: [B, N, 4], box2: [B, M, 4] -> [B, N, M]
    area1 = (box1[:, :, 2] - box1[:, :, 0]) * (box1[:, :, 3] - box1[:, :, 1])
    area2 = (box2[:, :, 2] - box2[:, :, 0]) * (box2[:, :, 3] - box2[:, :, 1])
    ix1 = jnp.maximum(box1[:, :, None, 0], box2[:, None, :, 0])
    iy1 = jnp.maximum(box1[:, :, None, 1], box2[:, None, :, 1])
    ix2 = jnp.minimum(box1[:, :, None, 2], box2[:, None, :, 2])
    iy2 = jnp.minimum(box1[:, :, None, 3], box2[:, None, :, 3])
    inter = jnp.clip(ix2 - ix1, 0) * jnp.clip(iy2 - iy1, 0)
    union = area1[:, :, None] + area2[:, None, :] - inter
    return inter / (union + eps)


def setup_inputs(seed: int = 0):
    key = jax.random.key(seed)
    k1, k2, k3, k4, k5 = jax.random.split(key, 5)
    anchors = []
    for s in (8, 16, 32):
        n = 640 // s
        ys, xs = np.meshgrid(np.arange(n), np.arange(n), indexing='ij')
        cx = (xs + 0.5) * s
        cy = (ys + 0.5) * s
        half = 2.5 * s
        anchors.append(np.stack([cx - half, cy - half, cx + half, cy + half], -1).reshape(-1, 4))
    anchor_bboxes = jnp.asarray(np.concatenate(anchors, 0), jnp.float32)  # [8400, 4]
    B, M = 16, 64
    xy = jax.random.uniform(k1, (B, M, 2), minval=0.0, maxval=560.0)
    wh = jax.random.uniform(k2, (B, M, 2), minval=16.0, maxval=80.0)
    gt_bboxes = jnp.concatenate([xy, xy + wh], -1)
    gt_labels = jax.random.randint(k3, (B, M, 1), 0, NUM_CLASSES)
    mask_gt = (jax.random.uniform(k4, (B, M, 1)) < 0.8).astype(jnp.float32)
    N = anchor_bboxes.shape[0]
    pred_bboxes = anchor_bboxes[None, :, :] + 8.0 * jax.random.normal(k5, (B, N, 4), dtype=jnp.float32)
    return {
        'anchor_bboxes': anchor_bboxes,
        'gt_labels': gt_labels,
        'gt_bboxes': gt_bboxes,
        'mask_gt': mask_gt,
        'pred_bboxes': pred_bboxes,
    }


def reference(anchor_bboxes, gt_labels, gt_bboxes, mask_gt, pred_bboxes):
    B, M = gt_labels.shape[0], gt_labels.shape[1]
    N = anchor_bboxes.shape[0]
    gt_labels_sq = gt_labels[..., 0].astype(jnp.int32)  # [B, M]
    anchor_centers = (anchor_bboxes[:, :2] + anchor_bboxes[:, 2:]) / 2  # [N, 2]
    gt_centers = (gt_bboxes[:, :, :2] + gt_bboxes[:, :, 2:]) / 2  # [B, M, 2]
    diff = anchor_centers[None, :, None, :] - gt_centers[:, None, :, :]
    distances = jnp.sqrt(jnp.sum(diff * diff, axis=-1))  # [B, N, M]

    # per-level top-k smallest distances -> candidate mask
    masks = []
    start = 0
    b_idx = jnp.arange(B)[:, None, None]
    m_idx = jnp.arange(M)[None, :, None]
    for level_n in LEVELS:
        d = distances[:, start:start + level_n, :]  # [B, Ln, M]
        k = min(TOPK, level_n)
        neg = -jnp.transpose(d, (0, 2, 1))  # [B, M, Ln]
        _, topk_idx = jax.lax.top_k(neg, k)  # [B, M, k]
        lvl_mask = jnp.zeros((B, M, level_n), dtype=bool).at[b_idx, m_idx, topk_idx].set(True)
        masks.append(jnp.transpose(lvl_mask, (0, 2, 1)))  # [B, Ln, M]
        start += level_n
    candidate_mask = jnp.concatenate(masks, axis=1)  # [B, N, M]

    anchors_b = jnp.broadcast_to(anchor_bboxes[None, :, :], (B, N, 4))
    ious = batch_bbox_iou(anchors_b, gt_bboxes)  # [B, N, M]
    cand_f = candidate_mask.astype(jnp.float32)
    candidate_ious = ious * cand_f
    candidate_count = jnp.clip(cand_f.sum(axis=1), 1.0)
    candidate_mean = candidate_ious.sum(axis=1) / candidate_count
    candidate_sq_mean = ((candidate_ious ** 2) * cand_f).sum(axis=1) / candidate_count
    candidate_std = jnp.sqrt(jnp.clip(candidate_sq_mean - candidate_mean ** 2, 0.0))
    iou_threshold = candidate_mean + candidate_std  # [B, M]
    is_pos = candidate_mask & (ious >= iou_threshold[:, None, :])

    ac = anchor_centers
    center_in_gt = ((ac[None, :, None, 0] >= gt_bboxes[:, None, :, 0])
                    & (ac[None, :, None, 0] <= gt_bboxes[:, None, :, 2])
                    & (ac[None, :, None, 1] >= gt_bboxes[:, None, :, 1])
                    & (ac[None, :, None, 1] <= gt_bboxes[:, None, :, 3]))
    is_pos = is_pos & center_in_gt
    is_pos = is_pos & jnp.transpose(mask_gt, (0, 2, 1)).astype(bool)

    fg_mask = is_pos.any(axis=-1)  # [B, N]
    pos_ious = jnp.where(is_pos, ious, jnp.zeros_like(ious))
    max_gt_idx = jnp.argmax(pos_ious, axis=-1)  # [B, N]

    assigned_labels = jnp.take_along_axis(gt_labels_sq, max_gt_idx, axis=1)
    assigned_labels = assigned_labels * fg_mask.astype(assigned_labels.dtype)

    idx4 = jnp.broadcast_to(max_gt_idx[..., None], (B, N, 4))
    assigned_bboxes = jnp.take_along_axis(gt_bboxes, idx4, axis=1)
    assigned_bboxes = assigned_bboxes * fg_mask[..., None].astype(jnp.float32)

    assigned_ious = jnp.take_along_axis(ious, max_gt_idx[..., None], axis=2)[..., 0]
    assigned_ious = assigned_ious * fg_mask.astype(jnp.float32)

    pred_ious = batch_bbox_iou(pred_bboxes, gt_bboxes)
    pred_assigned_ious = jnp.take_along_axis(pred_ious, max_gt_idx[..., None], axis=2)[..., 0]
    pred_assigned_ious = pred_assigned_ious * fg_mask.astype(jnp.float32)
    assigned_ious = assigned_ious * pred_assigned_ious

    assigned_scores = jax.nn.one_hot(assigned_labels, NUM_CLASSES, dtype=jnp.float32) * assigned_ious[..., None]
    assigned_scores = assigned_scores * fg_mask[..., None].astype(jnp.float32)

    return assigned_labels, assigned_bboxes, assigned_scores, fg_mask

if __name__ == "__main__":
    import jax
    _d = setup_inputs()
    print(jax.jit(kernel)(*tuple(_d.values())))

</pallas_src>

<mosaic_0001>
#map = affine_map<(d0, d1) -> (0, 0)>
#map1 = affine_map<(d0, d1) -> (0, 0, 0)>
module attributes {stable_mosaic.version = 14 : i64} {
  func.func @_phase_b_body(%arg0: i32, %arg1: i32, %arg2: memref<16x2048xi32, #tpu.memory_space<hbm>>, %arg3: memref<16x2048xf32, #tpu.memory_space<hbm>>, %arg4: memref<16x8x64xf32, #tpu.memory_space<hbm>>, %arg5: memref<32x8x4224xf32, #tpu.memory_space<hbm>>, %arg6: memref<2048xi32, #tpu.memory_space<vmem>>, %arg7: memref<2048xf32, #tpu.memory_space<vmem>>, %arg8: memref<8x64xf32, #tpu.memory_space<vmem>>, %arg9: memref<8x4224xf32, #tpu.memory_space<vmem>>, %arg10: memref<4224xi32, #tpu.memory_space<vmem>>) attributes {dimension_semantics = [#tpu.dimension_semantics<core_parallel>, #tpu.dimension_semantics<subcore_parallel>], iteration_bounds = array<i64: 2, 16>, scalar_prefetch = 0 : i64, scratch_operands = 5 : i64, tpu.core_type = #tpu.core_type<sc_vector_subcore>, window_params = [{transform_indices = #map}, {transform_indices = #map}, {transform_indices = #map1}, {transform_indices = #map1}]} {
    %mul3A = arith.constant 2 : i32
    %mul3A_0 = arith.muli %arg1, %mul3A : i32
    %add3A = arith.addi %mul3A_0, %arg0 : i32
    %mul3A_1 = arith.constant 4224 : i32
    %mul3A_2 = arith.muli %arg0, %mul3A_1 : i32
    "tpu.region"() ({
      %run_scoped3A = tpu.sem_alloc : memref<!tpu.dma_semaphore, #tpu.memory_space<semaphore_mem>>
      %dma_start3A = arith.constant 0 : i32
      %dma_start3A_18 = tpu.memref_slice %arg2[%arg1, %dma_start3A] : memref<16x2048xi32, #tpu.memory_space<hbm>> -> memref<1x2048xi32, #tpu.memory_space<hbm>>
      %dma_start3A_19 = tpu.memref_squeeze %dma_start3A_18 : memref<1x2048xi32, #tpu.memory_space<hbm>> -> memref<2048xi32, #tpu.memory_space<hbm>>
      %dma_start3A_20 = arith.constant 0 : i32
      %dma_start3A_21 = tpu.memref_slice %arg2[%arg1, %dma_start3A_20] : memref<16x2048xi32, #tpu.memory_space<hbm>> -> memref<1x2048xi32, #tpu.memory_space<hbm>>
      %dma_start3A_22 = tpu.memref_squeeze %dma_start3A_21 : memref<1x2048xi32, #tpu.memory_space<hbm>> -> memref<2048xi32, #tpu.memory_space<hbm>>
      tpu.enqueue_dma source(%dma_start3A_22 : memref<2048xi32, #tpu.memory_space<hbm>>) target(%arg6 : memref<2048xi32, #tpu.memory_space<vmem>>) target_semaphore(%run_scoped3A : memref<!tpu.dma_semaphore, #tpu.memory_space<semaphore_mem>>)
      %dma_wait3A = arith.constant 0 : i32
      %dma_wait3A_23 = tpu.memref_slice %arg2[%arg1, %dma_wait3A] : memref<16x2048xi32, #tpu.memory_space<hbm>> -> memref<1x2048xi32, #tpu.memory_space<hbm>>
      %dma_wait3A_24 = tpu.memref_squeeze %dma_wait3A_23 : memref<1x2048xi32, #tpu.memory_space<hbm>> -> memref<2048xi32, #tpu.memory_space<hbm>>
      %dma_wait3A_25 = arith.constant 0 : i32
      %dma_wait3A_26 = tpu.memref_slice %arg2[%arg1, %dma_wait3A_25] : memref<16x2048xi32, #tpu.memory_space<hbm>> -> memref<1x2048xi32, #tpu.memory_space<hbm>>
      %dma_wait3A_27 = tpu.memref_squeeze %dma_wait3A_26 : memref<1x2048xi32, #tpu.memory_space<hbm>> -> memref<2048xi32, #tpu.memory_space<hbm>>
      tpu.wait_dma2 semaphore(%run_scoped3A : memref<!tpu.dma_semaphore, #tpu.memory_space<semaphore_mem>>) src(%dma_wait3A_27 : memref<2048xi32, #tpu.memory_space<hbm>>) dst(%arg6 : memref<2048xi32, #tpu.memory_space<vmem>>)
      tpu.yield
    }) : () -> ()
    "tpu.region"() ({
      %run_scoped3A = tpu.sem_alloc : memref<!tpu.dma_semaphore, #tpu.memory_space<semaphore_mem>>
      %dma_start3A = arith.constant 0 : i32
      %dma_start3A_18 = tpu.memref_slice %arg3[%arg1, %dma_start3A] : memref<16x2048xf32, #tpu.memory_space<hbm>> -> memref<1x2048xf32, #tpu.memory_space<hbm>>
      %dma_start3A_19 = tpu.memref_squeeze %dma_start3A_18 : memref<1x2048xf32, #tpu.memory_space<hbm>> -> memref<2048xf32, #tpu.memory_space<hbm>>
      %dma_start3A_20 = arith.constant 0 : i32
      %dma_start3A_21 = tpu.memref_slice %arg3[%arg1, %dma_start3A_20] : memref<16x2048xf32, #tpu.memory_space<hbm>> -> memref<1x2048xf32, #tpu.memory_space<hbm>>
      %dma_start3A_22 = tpu.memref_squeeze %dma_start3A_21 : memref<1x2048xf32, #tpu.memory_space<hbm>> -> memref<2048xf32, #tpu.memory_space<hbm>>
      tpu.enqueue_dma source(%dma_start3A_22 : memref<2048xf32, #tpu.memory_space<hbm>>) target(%arg7 : memref<2048xf32, #tpu.memory_space<vmem>>) target_semaphore(%run_scoped3A : memref<!tpu.dma_semaphore, #tpu.memory_space<semaphore_mem>>)
      %dma_wait3A = arith.constant 0 : i32
      %dma_wait3A_23 = tpu.memref_slice %arg3[%arg1, %dma_wait3A] : memref<16x2048xf32, #tpu.memory_space<hbm>> -> memref<1x2048xf32, #tpu.memory_space<hbm>>
      %dma_wait3A_24 = tpu.memref_squeeze %dma_wait3A_23 : memref<1x2048xf32, #tpu.memory_space<hbm>> -> memref<2048xf32, #tpu.memory_space<hbm>>
      %dma_wait3A_25 = arith.constant 0 : i32
      %dma_wait3A_26 = tpu.memref_slice %arg3[%arg1, %dma_wait3A_25] : memref<16x2048xf32, #tpu.memory_space<hbm>> -> memref<1x2048xf32, #tpu.memory_space<hbm>>
      %dma_wait3A_27 = tpu.memref_squeeze %dma_wait3A_26 : memref<1x2048xf32, #tpu.memory_space<hbm>> -> memref<2048xf32, #tpu.memory_space<hbm>>
      tpu.wait_dma2 semaphore(%run_scoped3A : memref<!tpu.dma_semaphore, #tpu.memory_space<semaphore_mem>>) src(%dma_wait3A_27 : memref<2048xf32, #tpu.memory_space<hbm>>) dst(%arg7 : memref<2048xf32, #tpu.memory_space<vmem>>)
      tpu.yield
    }) : () -> ()
    "tpu.region"() ({
      %run_scoped3A = tpu.sem_alloc : memref<!tpu.dma_semaphore, #tpu.memory_space<semaphore_mem>>
      %dma_start3A = arith.constant 0 : i32
      %dma_start3A_18 = arith.constant 0 : i32
      %dma_start3A_19 = tpu.memref_slice %arg4[%arg1, %dma_start3A, %dma_start3A_18] : memref<16x8x64xf32, #tpu.memory_space<hbm>> -> memref<1x8x64xf32, #tpu.memory_space<hbm>>
      %dma_start3A_20 = tpu.memref_squeeze %dma_start3A_19 : memref<1x8x64xf32, #tpu.memory_space<hbm>> -> memref<8x64xf32, #tpu.memory_space<hbm>>
      %dma_start3A_21 = arith.constant 0 : i32
      %dma_start3A_22 = arith.constant 0 : i32
      %dma_start3A_23 = tpu.memref_slice %arg4[%arg1, %dma_start3A_21, %dma_start3A_22] : memref<16x8x64xf32, #tpu.memory_space<hbm>> -> memref<1x8x64xf32, #tpu.memory_space<hbm>>
      %dma_start3A_24 = tpu.memref_squeeze %dma_start3A_23 : memref<1x8x64xf32, #tpu.memory_space<hbm>> -> memref<8x64xf32, #tpu.memory_space<hbm>>
      tpu.enqueue_dma source(%dma_start3A_24 : memref<8x64xf32, #tpu.memory_space<hbm>>) target(%arg8 : memref<8x64xf32, #tpu.memory_space<vmem>>) target_semaphore(%run_scoped3A : memref<!tpu.dma_semaphore, #tpu.memory_space<semaphore_mem>>)
      %dma_wait3A = arith.constant 0 : i32
      %dma_wait3A_25 = arith.constant 0 : i32
      %dma_wait3A_26 = tpu.memref_slice %arg4[%arg1, %dma_wait3A, %dma_wait3A_25] : memref<16x8x64xf32, #tpu.memory_space<hbm>> -> memref<1x8x64xf32, #tpu.memory_space<hbm>>
      %dma_wait3A_27 = tpu.memref_squeeze %dma_wait3A_26 : memref<1x8x64xf32, #tpu.memory_space<hbm>> -> memref<8x64xf32, #tpu.memory_space<hbm>>
      %dma_wait3A_28 = arith.constant 0 : i32
      %dma_wait3A_29 = arith.constant 0 : i32
      %dma_wait3A_30 = tpu.memref_slice %arg4[%arg1, %dma_wait3A_28, %dma_wait3A_29] : memref<16x8x64xf32, #tpu.memory_space<hbm>> -> memref<1x8x64xf32, #tpu.memory_space<hbm>>
      %dma_wait3A_31 = tpu.memref_squeeze %dma_wait3A_30 : memref<1x8x64xf32, #tpu.memory_space<hbm>> -> memref<8x64xf32, #tpu.memory_space<hbm>>
      tpu.wait_dma2 semaphore(%run_scoped3A : memref<!tpu.dma_semaphore, #tpu.memory_space<semaphore_mem>>) src(%dma_wait3A_31 : memref<8x64xf32, #tpu.memory_space<hbm>>) dst(%arg8 : memref<8x64xf32, #tpu.memory_space<vmem>>)
      tpu.yield
    }) : () -> ()
    %broadcast_in_dim3A = arith.constant 0.000000e+00 : f32
    %broadcast_in_dim3A_3 = vector.broadcast %broadcast_in_dim3A : f32 to vector<16xf32>
    %broadcast_in_dim3A_4 = arith.constant 0 : i32
    %broadcast_in_dim3A_5 = vector.broadcast %broadcast_in_dim3A_4 : i32 to vector<16xi32>
    %broadcast_in_dim3A_6 = arith.constant 0 : i32
    %broadcast_in_dim3A_7 = vector.broadcast %broadcast_in_dim3A_6 : i32 to vector<16xi32>
    %parallel_loop3A = arith.constant 0 : i32
    %parallel_loop3A_8 = arith.constant 264 : i32
    %parallel_loop3A_9 = arith.constant 1 : i32
    scf.for %parallel_loop3A_18 = %parallel_loop3A to %parallel_loop3A_8 step %parallel_loop3A_9  : i32 {
      %parallel_loop3A_19 = arith.constant 16 : i32
      %parallel_loop3A_20 = arith.muli %parallel_loop3A_18, %parallel_loop3A_19 : i32
      %parallel_loop3A_21 = arith.constant 0 : i32
      %parallel_loop3A_22 = arith.index_cast %parallel_loop3A_21 : i32 to index
      %parallel_loop3A_23 = arith.index_cast %parallel_loop3A_20 : i32 to index
      %parallel_loop3A_24 = tpu.vector_load %arg9[%parallel_loop3A_22, %parallel_loop3A_23] {strides = array<i32>} : memref<8x4224xf32, #tpu.memory_space<vmem>>, vector<16xf32>,
      tpu.vector_store %arg9[%parallel_loop3A_22, %parallel_loop3A_23], %broadcast_in_dim3A_3 {strides = array<i32>} : memref<8x4224xf32, #tpu.memory_space<vmem>>, vector<16xf32>,
      %parallel_loop3A_25 = arith.constant 16 : i32
      %parallel_loop3A_26 = arith.muli %parallel_loop3A_18, %parallel_loop3A_25 : i32
      %parallel_loop3A_27 = arith.index_cast %parallel_loop3A_26 : i32 to index
      %parallel_loop3A_28 = tpu.vector_load %arg10[%parallel_loop3A_27] {strides = array<i32>} : memref<4224xi32, #tpu.memory_space<vmem>>, vector<16xi32>,
      tpu.vector_store %arg10[%parallel_loop3A_27], %broadcast_in_dim3A_5 {strides = array<i32>} : memref<4224xi32, #tpu.memory_space<vmem>>, vector<16xi32>,
    } {sc.loop_unroll_factor = 8 : i64, sc.parallel_access}
    %scan3A = arith.constant 0 : i32
    %scan3A_10 = arith.constant 0 : i32
    %scan3A_11 = arith.constant 64 : i32
    %scan3A_12 = arith.addi %scan3A_10, %scan3A_11 : i32
    %scan3A_13 = arith.constant 2 : i32
    scf.for %scan3A_18 = %scan3A_10 to %scan3A_12 step %scan3A_13  : i32 {
      %broadcast_in_dim3A_19 = vector.broadcast %scan3A_18 : i32 to vector<16xi32>
      %mul3A_20 = arith.constant 32 : i32
      %mul3A_21 = arith.muli %scan3A_18, %mul3A_20 : i32
      %add3A_22 = arith.constant 0 : i32
      %add3A_23 = arith.addi %mul3A_21, %add3A_22 : i32
      %get3A = arith.index_cast %add3A_23 : i32 to index
      %get3A_24 = tpu.vector_load %arg6[%get3A] {strides = array<i32>} : memref<2048xi32, #tpu.memory_space<vmem>>, vector<16xi32>,
      %get3A_25 = arith.index_cast %add3A_23 : i32 to index
      %get3A_26 = tpu.vector_load %arg7[%get3A_25] {strides = array<i32>} : memref<2048xf32, #tpu.memory_space<vmem>>, vector<16xf32>,
      %sub3A = vector.broadcast %mul3A_2 : i32 to vector<16xi32>
      %sub3A_27 = arith.subi %get3A_24, %sub3A : vector<16xi32>
      %ge3A = arith.constant 0 : i32
      %ge3A_28 = vector.broadcast %ge3A : i32 to vector<16xi32>
      %ge3A_29 = arith.cmpi sge, %sub3A_27, %ge3A_28 : vector<16xi32>
      %lt3A = arith.constant 4224 : i32
      %lt3A_30 = vector.broadcast %lt3A : i32 to vector<16xi32>
      %lt3A_31 = arith.cmpi slt, %sub3A_27, %lt3A_30 : vector<16xi32>
      %and3A = arith.andi %ge3A_29, %lt3A_31 : vector<16xi1>
      %jit3A = arith.constant 0 : i32
      %jit3A_32 = arith.constant 4223 : i32
      %max3A = vector.broadcast %jit3A : i32 to vector<16xi32>
      %max3A_33 = arith.maxsi %max3A, %sub3A_27 : vector<16xi32>
      %min3A = vector.broadcast %jit3A_32 : i32 to vector<16xi32>
      %min3A_34 = arith.minsi %min3A, %max3A_33 : vector<16xi32>
      %gather3A = tpu.vector_load_idx %arg9[%broadcast_in_dim3A_7, %min3A_34] masked %and3A : memref<8x4224xf32, #tpu.memory_space<vmem>>[vector<16xi32>, vector<16xi32>], vector<16xf32>, vector<16xi1>
      %gt3A = arith.cmpf ogt, %get3A_26, %gather3A : vector<16xf32>
      %and3A_35 = arith.andi %and3A, %gt3A : vector<16xi1>
      tpu.vector_store_idx %arg9[%broadcast_in_dim3A_7, %min3A_34], %get3A_26 masked %and3A_35 : memref<8x4224xf32, #tpu.memory_space<vmem>>[vector<16xi32>, vector<16xi32>], vector<16xf32>, vector<16xi1>
      tpu.vector_store_idx %arg10[%min3A_34], %broadcast_in_dim3A_19 masked %and3A_35 : memref<4224xi32, #tpu.memory_space<vmem>>[vector<16xi32>], vector<16xi32>, vector<16xi1>
      %mul3A_36 = arith.constant 32 : i32
      %mul3A_37 = arith.muli %scan3A_18, %mul3A_36 : i32
      %add3A_38 = arith.constant 16 : i32
      %add3A_39 = arith.addi %mul3A_37, %add3A_38 : i32
      %get3A_40 = arith.index_cast %add3A_39 : i32 to index
      %get3A_41 = tpu.vector_load %arg6[%get3A_40] {strides = array<i32>} : memref<2048xi32, #tpu.memory_space<vmem>>, vector<16xi32>,
      %get3A_42 = arith.index_cast %add3A_39 : i32 to index
      %get3A_43 = tpu.vector_load %arg7[%get3A_42] {strides = array<i32>} : memref<2048xf32, #tpu.memory_space<vmem>>, vector<16xf32>,
      %sub3A_44 = vector.broadcast %mul3A_2 : i32 to vector<16xi32>
      %sub3A_45 = arith.subi %get3A_41, %sub3A_44 : vector<16xi32>
      %ge3A_46 = arith.constant 0 : i32
      %ge3A_47 = vector.broadcast %ge3A_46 : i32 to vector<16xi32>
      %ge3A_48 = arith.cmpi sge, %sub3A_45, %ge3A_47 : vector<16xi32>
      %lt3A_49 = arith.constant 4224 : i32
      %lt3A_50 = vector.broadcast %lt3A_49 : i32 to vector<16xi32>
      %lt3A_51 = arith.cmpi slt, %sub3A_45, %lt3A_50 : vector<16xi32>
      %and3A_52 = arith.andi %ge3A_48, %lt3A_51 : vector<16xi1>
      %jit3A_53 = arith.constant 0 : i32
      %jit3A_54 = arith.constant 4223 : i32
      %max3A_55 = vector.broadcast %jit3A_53 : i32 to vector<16xi32>
      %max3A_56 = arith.maxsi %max3A_55, %sub3A_45 : vector<16xi32>
      %min3A_57 = vector.broadcast %jit3A_54 : i32 to vector<16xi32>
      %min3A_58 = arith.minsi %min3A_57, %max3A_56 : vector<16xi32>
      %gather3A_59 = tpu.vector_load_idx %arg9[%broadcast_in_dim3A_7, %min3A_58] masked %and3A_52 : memref<8x4224xf32, #tpu.memory_space<vmem>>[vector<16xi32>, vector<16xi32>], vector<16xf32>, vector<16xi1>
      %gt3A_60 = arith.cmpf ogt, %get3A_43, %gather3A_59 : vector<16xf32>
      %and3A_61 = arith.andi %and3A_52, %gt3A_60 : vector<16xi1>
      tpu.vector_store_idx %arg9[%broadcast_in_dim3A_7, %min3A_58], %get3A_43 masked %and3A_61 : memref<8x4224xf32, #tpu.memory_space<vmem>>[vector<16xi32>, vector<16xi32>], vector<16xf32>, vector<16xi1>
      tpu.vector_store_idx %arg10[%min3A_58], %broadcast_in_dim3A_19 masked %and3A_61 : memref<4224xi32, #tpu.memory_space<vmem>>[vector<16xi32>], vector<16xi32>, vector<16xi1>
      %scan3A_62 = arith.constant 1 : i32
      %scan3A_63 = arith.addi %scan3A_18, %scan3A_62 : i32
      %broadcast_in_dim3A_64 = vector.broadcast %scan3A_63 : i32 to vector<16xi32>
      %mul3A_65 = arith.constant 32 : i32
      %mul3A_66 = arith.muli %scan3A_63, %mul3A_65 : i32
      %add3A_67 = arith.constant 0 : i32
      %add3A_68 = arith.addi %mul3A_66, %add3A_67 : i32
      %get3A_69 = arith.index_cast %add3A_68 : i32 to index
      %get3A_70 = tpu.vector_load %arg6[%get3A_69] {strides = array<i32>} : memref<2048xi32, #tpu.memory_space<vmem>>, vector<16xi32>,
      %get3A_71 = arith.index_cast %add3A_68 : i32 to index
      %get3A_72 = tpu.vector_load %arg7[%get3A_71] {strides = array<i32>} : memref<2048xf32, #tpu.memory_space<vmem>>, vector<16xf32>,
      %sub3A_73 = vector.broadcast %mul3A_2 : i32 to vector<16xi32>
      %sub3A_74 = arith.subi %get3A_70, %sub3A_73 : vector<16xi32>
      %ge3A_75 = arith.constant 0 : i32
      %ge3A_76 = vector.broadcast %ge3A_75 : i32 to vector<16xi32>
      %ge3A_77 = arith.cmpi sge, %sub3A_74, %ge3A_76 : vector<16xi32>
      %lt3A_78 = arith.constant 4224 : i32
      %lt3A_79 = vector.broadcast %lt3A_78 : i32 to vector<16xi32>
      %lt3A_80 = arith.cmpi slt, %sub3A_74, %lt3A_79 : vector<16xi32>
      %and3A_81 = arith.andi %ge3A_77, %lt3A_80 : vector<16xi1>
      %jit3A_82 = arith.constant 0 : i32
      %jit3A_83 = arith.constant 4223 : i32
      %max3A_84 = vector.broadcast %jit3A_82 : i32 to vector<16xi32>
      %max3A_85 = arith.maxsi %max3A_84, %sub3A_74 : vector<16xi32>
      %min3A_86 = vector.broadcast %jit3A_83 : i32 to vector<16xi32>
      %min3A_87 = arith.minsi %min3A_86, %max3A_85 : vector<16xi32>
      %gather3A_88 = tpu.vector_load_idx %arg9[%broadcast_in_dim3A_7, %min3A_87] masked %and3A_81 : memref<8x4224xf32, #tpu.memory_space<vmem>>[vector<16xi32>, vector<16xi32>], vector<16xf32>, vector<16xi1>
      %gt3A_89 = arith.cmpf ogt, %get3A_72, %gather3A_88 : vector<16xf32>
      %and3A_90 = arith.andi %and3A_81, %gt3A_89 : vector<16xi1>
      tpu.vector_store_idx %arg9[%broadcast_in_dim3A_7, %min3A_87], %get3A_72 masked %and3A_90 : memref<8x4224xf32, #tpu.memory_space<vmem>>[vector<16xi32>, vector<16xi32>], vector<16xf32>, vector<16xi1>
      tpu.vector_store_idx %arg10[%min3A_87], %broadcast_in_dim3A_64 masked %and3A_90 : memref<4224xi32, #tpu.memory_space<vmem>>[vector<16xi32>], vector<16xi32>, vector<16xi1>
      %mul3A_91 = arith.constant 32 : i32
      %mul3A_92 = arith.muli %scan3A_63, %mul3A_91 : i32
      %add3A_93 = arith.constant 16 : i32
      %add3A_94 = arith.addi %mul3A_92, %add3A_93 : i32
      %get3A_95 = arith.index_cast %add3A_94 : i32 to index
      %get3A_96 = tpu.vector_load %arg6[%get3A_95] {strides = array<i32>} : memref<2048xi32, #tpu.memory_space<vmem>>, vector<16xi32>,
      %get3A_97 = arith.index_cast %add3A_94 : i32 to index
      %get3A_98 = tpu.vector_load %arg7[%get3A_97] {strides = array<i32>} : memref<2048xf32, #tpu.memory_space<vmem>>, vector<16xf32>,
      %sub3A_99 = vector.broadcast %mul3A_2 : i32 to vector<16xi32>
      %sub3A_100 = arith.subi %get3A_96, %sub3A_99 : vector<16xi32>
      %ge3A_101 = arith.constant 0 : i32
      %ge3A_102 = vector.broadcast %ge3A_101 : i32 to vector<16xi32>
      %ge3A_103 = arith.cmpi sge, %sub3A_100, %ge3A_102 : vector<16xi32>
      %lt3A_104 = arith.constant 4224 : i32
      %lt3A_105 = vector.broadcast %lt3A_104 : i32 to vector<16xi32>
      %lt3A_106 = arith.cmpi slt, %sub3A_100, %lt3A_105 : vector<16xi32>
      %and3A_107 = arith.andi %ge3A_103, %lt3A_106 : vector<16xi1>
      %jit3A_108 = arith.constant 0 : i32
      %jit3A_109 = arith.constant 4223 : i32
      %max3A_110 = vector.broadcast %jit3A_108 : i32 to vector<16xi32>
      %max3A_111 = arith.maxsi %max3A_110, %sub3A_100 : vector<16xi32>
      %min3A_112 = vector.broadcast %jit3A_109 : i32 to vector<16xi32>
      %min3A_113 = arith.minsi %min3A_112, %max3A_111 : vector<16xi32>
      %gather3A_114 = tpu.vector_load_idx %arg9[%broadcast_in_dim3A_7, %min3A_113] masked %and3A_107 : memref<8x4224xf32, #tpu.memory_space<vmem>>[vector<16xi32>, vector<16xi32>], vector<16xf32>, vector<16xi1>
      %gt3A_115 = arith.cmpf ogt, %get3A_98, %gather3A_114 : vector<16xf32>
      %and3A_116 = arith.andi %and3A_107, %gt3A_115 : vector<16xi1>
      tpu.vector_store_idx %arg9[%broadcast_in_dim3A_7, %min3A_113], %get3A_98 masked %and3A_116 : memref<8x4224xf32, #tpu.memory_space<vmem>>[vector<16xi32>, vector<16xi32>], vector<16xf32>, vector<16xi1>
      tpu.vector_store_idx %arg10[%min3A_113], %broadcast_in_dim3A_64 masked %and3A_116 : memref<4224xi32, #tpu.memory_space<vmem>>[vector<16xi32>], vector<16xi32>, vector<16xi1>
    }
    %scan3A_14 = arith.constant 64 : i32
    %parallel_loop3A_15 = arith.constant 0 : i32
    %parallel_loop3A_16 = arith.constant 264 : i32
    %parallel_loop3A_17 = arith.constant 1 : i32
    scf.for %parallel_loop3A_18 = %parallel_loop3A_15 to %parallel_loop3A_16 step %parallel_loop3A_17  : i32 {
      %parallel_loop3A_19 = arith.constant 16 : i32
      %parallel_loop3A_20 = arith.muli %parallel_loop3A_18, %parallel_loop3A_19 : i32
      %parallel_loop3A_21 = arith.index_cast %parallel_loop3A_20 : i32 to index
      %parallel_loop3A_22 = tpu.vector_load %arg10[%parallel_loop3A_21] {strides = array<i32>} : memref<4224xi32, #tpu.memory_space<vmem>>, vector<16xi32>,
      %parallel_loop3A_23 = arith.constant 0 : i32
      %parallel_loop3A_24 = vector.broadcast %parallel_loop3A_23 : i32 to vector<16xi32>
      %parallel_loop3A_25 = tpu.vector_load_idx %arg8[%parallel_loop3A_24, %parallel_loop3A_22] : memref<8x64xf32, #tpu.memory_space<vmem>>[vector<16xi32>, vector<16xi32>], vector<16xf32>,
      %parallel_loop3A_26 = arith.constant 1 : i32
      %parallel_loop3A_27 = arith.index_cast %parallel_loop3A_26 : i32 to index
      %parallel_loop3A_28 = arith.index_cast %parallel_loop3A_20 : i32 to index
      %parallel_loop3A_29 = tpu.vector_load %arg9[%parallel_loop3A_27, %parallel_loop3A_28] {strides = array<i32>} : memref<8x4224xf32, #tpu.memory_space<vmem>>, vector<16xf32>,
      tpu.vector_store %arg9[%parallel_loop3A_27, %parallel_loop3A_28], %parallel_loop3A_25 {strides = array<i32>} : memref<8x4224xf32, #tpu.memory_space<vmem>>, vector<16xf32>,
      %parallel_loop3A_30 = arith.constant 1 : i32
      %parallel_loop3A_31 = vector.broadcast %parallel_loop3A_30 : i32 to vector<16xi32>
      %parallel_loop3A_32 = tpu.vector_load_idx %arg8[%parallel_loop3A_31, %parallel_loop3A_22] : memref<8x64xf32, #tpu.memory_space<vmem>>[vector<16xi32>, vector<16xi32>], vector<16xf32>,
      %parallel_loop3A_33 = arith.constant 2 : i32
      %parallel_loop3A_34 = arith.index_cast %parallel_loop3A_33 : i32 to index
      %parallel_loop3A_35 = arith.index_cast %parallel_loop3A_20 : i32 to index
      %parallel_loop3A_36 = tpu.vector_load %arg9[%parallel_loop3A_34, %parallel_loop3A_35] {strides = array<i32>} : memref<8x4224xf32, #tpu.memory_space<vmem>>, vector<16xf32>,
      tpu.vector_store %arg9[%parallel_loop3A_34, %parallel_loop3A_35], %parallel_loop3A_32 {strides = array<i32>} : memref<8x4224xf32, #tpu.memory_space<vmem>>, vector<16xf32>,
      %parallel_loop3A_37 = arith.constant 2 : i32
      %parallel_loop3A_38 = vector.broadcast %parallel_loop3A_37 : i32 to vector<16xi32>
      %parallel_loop3A_39 = tpu.vector_load_idx %arg8[%parallel_loop3A_38, %parallel_loop3A_22] : memref<8x64xf32, #tpu.memory_space<vmem>>[vector<16xi32>, vector<16xi32>], vector<16xf32>,
      %parallel_loop3A_40 = arith.constant 3 : i32
      %parallel_loop3A_41 = arith.index_cast %parallel_loop3A_40 : i32 to index
      %parallel_loop3A_42 = arith.index_cast %parallel_loop3A_20 : i32 to index
      %parallel_loop3A_43 = tpu.vector_load %arg9[%parallel_loop3A_41, %parallel_loop3A_42] {strides = array<i32>} : memref<8x4224xf32, #tpu.memory_space<vmem>>, vector<16xf32>,
      tpu.vector_store %arg9[%parallel_loop3A_41, %parallel_loop3A_42], %parallel_loop3A_39 {strides = array<i32>} : memref<8x4224xf32, #tpu.memory_space<vmem>>, vector<16xf32>,
      %parallel_loop3A_44 = arith.constant 3 : i32
      %parallel_loop3A_45 = vector.broadcast %parallel_loop3A_44 : i32 to vector<16xi32>
      %parallel_loop3A_46 = tpu.vector_load_idx %arg8[%parallel_loop3A_45, %parallel_loop3A_22] : memref<8x64xf32, #tpu.memory_space<vmem>>[vector<16xi32>, vector<16xi32>], vector<16xf32>,
      %parallel_loop3A_47 = arith.constant 4 : i32
      %parallel_loop3A_48 = arith.index_cast %parallel_loop3A_47 : i32 to index
      %parallel_loop3A_49 = arith.index_cast %parallel_loop3A_20 : i32 to index
      %parallel_loop3A_50 = tpu.vector_load %arg9[%parallel_loop3A_48, %parallel_loop3A_49] {strides = array<i32>} : memref<8x4224xf32, #tpu.memory_space<vmem>>, vector<16xf32>,
      tpu.vector_store %arg9[%parallel_loop3A_48, %parallel_loop3A_49], %parallel_loop3A_46 {strides = array<i32>} : memref<8x4224xf32, #tpu.memory_space<vmem>>, vector<16xf32>,
      %parallel_loop3A_51 = arith.constant 4 : i32
      %parallel_loop3A_52 = vector.broadcast %parallel_loop3A_51 : i32 to vector<16xi32>
      %parallel_loop3A_53 = tpu.vector_load_idx %arg8[%parallel_loop3A_52, %parallel_loop3A_22] : memref<8x64xf32, #tpu.memory_space<vmem>>[vector<16xi32>, vector<16xi32>], vector<16xf32>,
      %parallel_loop3A_54 = arith.constant 5 : i32
      %parallel_loop3A_55 = arith.index_cast %parallel_loop3A_54 : i32 to index
      %parallel_loop3A_56 = arith.index_cast %parallel_loop3A_20 : i32 to index
      %parallel_loop3A_57 = tpu.vector_load %arg9[%parallel_loop3A_55, %parallel_loop3A_56] {strides = array<i32>} : memref<8x4224xf32, #tpu.memory_space<vmem>>, vector<16xf32>,
      tpu.vector_store %arg9[%parallel_loop3A_55, %parallel_loop3A_56], %parallel_loop3A_53 {strides = array<i32>} : memref<8x4224xf32, #tpu.memory_space<vmem>>, vector<16xf32>,
    } {sc.loop_unroll_factor = 8 : i64, sc.parallel_access}
    "tpu.region"() ({
      %run_scoped3A = tpu.sem_alloc : memref<!tpu.dma_semaphore, #tpu.memory_space<semaphore_mem>>
      %dma_start3A = arith.constant 0 : i32
      %dma_start3A_18 = arith.constant 0 : i32
      %dma_start3A_19 = tpu.memref_slice %arg5[%add3A, %dma_start3A, %dma_start3A_18] : memref<32x8x4224xf32, #tpu.memory_space<hbm>> -> memref<1x8x4224xf32, #tpu.memory_space<hbm>>
      %dma_start3A_20 = tpu.memref_squeeze %dma_start3A_19 : memref<1x8x4224xf32, #tpu.memory_space<hbm>> -> memref<8x4224xf32, #tpu.memory_space<hbm>>
      %dma_start3A_21 = arith.constant 0 : i32
      %dma_start3A_22 = arith.constant 0 : i32
      %dma_start3A_23 = tpu.memref_slice %arg5[%add3A, %dma_start3A_21, %dma_start3A_22] : memref<32x8x4224xf32, #tpu.memory_space<hbm>> -> memref<1x8x4224xf32, #tpu.memory_space<hbm>>
      %dma_start3A_24 = tpu.memref_squeeze %dma_start3A_23 : memref<1x8x4224xf32, #tpu.memory_space<hbm>> -> memref<8x4224xf32, #tpu.memory_space<hbm>>
      tpu.enqueue_dma source(%arg9 : memref<8x4224xf32, #tpu.memory_space<vmem>>) target(%dma_start3A_24 : memref<8x4224xf32, #tpu.memory_space<hbm>>) target_semaphore(%run_scoped3A : memref<!tpu.dma_semaphore, #tpu.memory_space<semaphore_mem>>)
      %dma_wait3A = arith.constant 0 : i32
      %dma_wait3A_25 = arith.constant 0 : i32
      %dma_wait3A_26 = tpu.memref_slice %arg5[%add3A, %dma_wait3A, %dma_wait3A_25] : memref<32x8x4224xf32, #tpu.memory_space<hbm>> -> memref<1x8x4224xf32, #tpu.memory_space<hbm>>
      %dma_wait3A_27 = tpu.memref_squeeze %dma_wait3A_26 : memref<1x8x4224xf32, #tpu.memory_space<hbm>> -> memref<8x4224xf32, #tpu.memory_space<hbm>>
      %dma_wait3A_28 = arith.constant 0 : i32
      %dma_wait3A_29 = arith.constant 0 : i32
      %dma_wait3A_30 = tpu.memref_slice %arg5[%add3A, %dma_wait3A_28, %dma_wait3A_29] : memref<32x8x4224xf32, #tpu.memory_space<hbm>> -> memref<1x8x4224xf32, #tpu.memory_space<hbm>>
      %dma_wait3A_31 = tpu.memref_squeeze %dma_wait3A_30 : memref<1x8x4224xf32, #tpu.memory_space<hbm>> -> memref<8x4224xf32, #tpu.memory_space<hbm>>
      tpu.wait_dma2 semaphore(%run_scoped3A : memref<!tpu.dma_semaphore, #tpu.memory_space<semaphore_mem>>) src(%arg9 : memref<8x4224xf32, #tpu.memory_space<vmem>>) dst(%dma_wait3A_31 : memref<8x4224xf32, #tpu.memory_space<hbm>>)
      tpu.yield
    }) : () -> ()
    return
  }
}

module attributes {stable_mosaic.version = 14 : i64} {
  func.func @_phase_a_body(%arg0: memref<4x16x64xf32, #tpu.memory_space<vmem>>, %arg1: memref<16x64xf32, #tpu.memory_space<vmem>>, %arg2: memref<16x64x32xi32, #tpu.memory_space<vmem>>, %arg3: memref<16x64x32xf32, #tpu.memory_space<vmem>>) attributes {dimension_semantics = [], scalar_prefetch = 0 : i64, scratch_operands = 0 : i64, tpu.core_type = #tpu.core_type<tc>} {
    %get3A = arith.constant 0 : index
    %get3A_0 = arith.constant 0 : index
    %get3A_1 = arith.constant 0 : index
    %get3A_2 = vector.load %arg0[%get3A, %get3A_0, %get3A_1] : memref<4x16x64xf32, #tpu.memory_space<vmem>>, vector<4x16x64xf32>
    %slice3A = vector.extract_strided_slice %get3A_2 {offsets = [0, 0, 0], sizes = [1, 16, 64], strides = [1, 1, 1]} : vector<4x16x64xf32> to vector<1x16x64xf32>
    %squeeze3A = vector.shape_cast %slice3A : vector<1x16x64xf32> to vector<16x64xf32>
    %slice3A_3 = vector.extract_strided_slice %get3A_2 {offsets = [1, 0, 0], sizes = [1, 16, 64], strides = [1, 1, 1]} : vector<4x16x64xf32> to vector<1x16x64xf32>
    %squeeze3A_4 = vector.shape_cast %slice3A_3 : vector<1x16x64xf32> to vector<16x64xf32>
    %slice3A_5 = vector.extract_strided_slice %get3A_2 {offsets = [2, 0, 0], sizes = [1, 16, 64], strides = [1, 1, 1]} : vector<4x16x64xf32> to vector<1x16x64xf32>
    %squeeze3A_6 = vector.shape_cast %slice3A_5 : vector<1x16x64xf32> to vector<16x64xf32>
    %slice3A_7 = vector.extract_strided_slice %get3A_2 {offsets = [3, 0, 0], sizes = [1, 16, 64], strides = [1, 1, 1]} : vector<4x16x64xf32> to vector<1x16x64xf32>
    %squeeze3A_8 = vector.shape_cast %slice3A_7 : vector<1x16x64xf32> to vector<16x64xf32>
    %add3A = arith.addf %squeeze3A, %squeeze3A_6 : vector<16x64xf32>
    %div3A = arith.constant 2.000000e+00 : f32
    %div3A_9 = vector.broadcast %div3A : f32 to vector<16x64xf32>
    %div3A_10 = arith.divf %add3A, %div3A_9 : vector<16x64xf32>
    %add3A_11 = arith.addf %squeeze3A_4, %squeeze3A_8 : vector<16x64xf32>
    %div3A_12 = arith.constant 2.000000e+00 : f32
    %div3A_13 = vector.broadcast %div3A_12 : f32 to vector<16x64xf32>
    %div3A_14 = arith.divf %add3A_11, %div3A_13 : vector<16x64xf32>
    %sub3A = arith.subf %squeeze3A_6, %squeeze3A : vector<16x64xf32>
    %sub3A_15 = arith.subf %squeeze3A_8, %squeeze3A_4 : vector<16x64xf32>
    %mul3A = arith.mulf %sub3A, %sub3A_15 : vector<16x64xf32>
    %get3A_16 = arith.constant 0 : index
    %get3A_17 = arith.constant 0 : index
    %get3A_18 = vector.load %arg1[%get3A_16, %get3A_17] : memref<16x64xf32, #tpu.memory_space<vmem>>, vector<16x64xf32>
    %gt3A = arith.constant 0.000000e+00 : f32
    %gt3A_19 = vector.broadcast %gt3A : f32 to vector<16x64xf32>
    %gt3A_20 = arith.cmpf ogt, %get3A_18, %gt3A_19 : vector<16x64xf32>
    %iota3A = tpu.iota {dimensions = array<i32: 1>} : vector<1x25x1xi32>
    %jit3A = arith.constant 5 : i32
    %div3A_21 = vector.broadcast %jit3A : i32 to vector<1x25x1xi32>
    %div3A_22 = arith.divsi %iota3A, %div3A_21 : vector<1x25x1xi32>
    %sign3A = arith.constant 0 : i32
    %sign3A_23 = vector.broadcast %sign3A : i32 to vector<1x25x1xi32>
    %sign3A_24 = arith.cmpi sgt, %iota3A, %sign3A_23 : vector<1x25x1xi32>
    %sign3A_25 = arith.extui %sign3A_24 : vector<1x25x1xi1> to vector<1x25x1xi32>
    %sign3A_26 = arith.constant 0 : i32
    %sign3A_27 = vector.broadcast %sign3A_26 : i32 to vector<1x25x1xi32>
    %sign3A_28 = arith.cmpi slt, %iota3A, %sign3A_27 : vector<1x25x1xi32>
    %sign3A_29 = arith.extui %sign3A_28 : vector<1x25x1xi1> to vector<1x25x1xi32>
    %sign3A_30 = arith.subi %sign3A_25, %sign3A_29 : vector<1x25x1xi32>
    %sign3A_31 = arith.constant 0 : i32
    %sign3A_32 = arith.cmpi sgt, %jit3A, %sign3A_31 : i32
    %sign3A_33 = arith.extui %sign3A_32 : i1 to i32
    %sign3A_34 = arith.constant 0 : i32
    %sign3A_35 = arith.cmpi slt, %jit3A, %sign3A_34 : i32
    %sign3A_36 = arith.extui %sign3A_35 : i1 to i32
    %sign3A_37 = arith.subi %sign3A_33, %sign3A_36 : i32
    %ne3A = vector.broadcast %sign3A_37 : i32 to vector<1x25x1xi32>
    %ne3A_38 = arith.cmpi ne, %sign3A_30, %ne3A : vector<1x25x1xi32>
    %rem3A = vector.broadcast %jit3A : i32 to vector<1x25x1xi32>
    %rem3A_39 = arith.remsi %iota3A, %rem3A : vector<1x25x1xi32>
    %ne3A_40 = arith.constant 0 : i32
    %ne3A_41 = vector.broadcast %ne3A_40 : i32 to vector<1x25x1xi32>
    %ne3A_42 = arith.cmpi ne, %rem3A_39, %ne3A_41 : vector<1x25x1xi32>
    %and3A = arith.andi %ne3A_38, %ne3A_42 : vector<1x25x1xi1>
    %sub3A_43 = arith.constant 1 : i32
    %sub3A_44 = vector.broadcast %sub3A_43 : i32 to vector<1x25x1xi32>
    %sub3A_45 = arith.subi %div3A_22, %sub3A_44 : vector<1x25x1xi32>
    %select_n3A = arith.select %and3A, %sub3A_45, %div3A_22 : vector<1x25x1xi1>, vector<1x25x1xi32>
    %jit3A_46 = arith.constant 5 : i32
    %eq3A = arith.constant 0 : i32
    %eq3A_47 = arith.cmpi eq, %jit3A_46, %eq3A : i32
    %jit3A_48 = arith.constant 1 : i32
    %select_n3A_49 = arith.select %eq3A_47, %jit3A_48, %jit3A_46 : i32
    %rem3A_50 = vector.broadcast %select_n3A_49 : i32 to vector<1x25x1xi32>
    %rem3A_51 = arith.remsi %iota3A, %rem3A_50 : vector<1x25x1xi32>
    %ne3A_52 = arith.constant 0 : i32
    %ne3A_53 = vector.broadcast %ne3A_52 : i32 to vector<1x25x1xi32>
    %ne3A_54 = arith.cmpi ne, %rem3A_51, %ne3A_53 : vector<1x25x1xi32>
    %lt3A = arith.constant 0 : i32
    %lt3A_55 = vector.broadcast %lt3A : i32 to vector<1x25x1xi32>
    %lt3A_56 = arith.cmpi slt, %rem3A_51, %lt3A_55 : vector<1x25x1xi32>
    %lt3A_57 = arith.constant 0 : i32
    %lt3A_58 = arith.cmpi slt, %select_n3A_49, %lt3A_57 : i32
    %ne3A_59 = vector.broadcast %lt3A_58 : i1 to vector<1x25x1xi1>
    %ne3A_60 = vector.broadcast %ne3A_59 : vector<1x25x1xi1> to vector<1x25x1xi1>
    %ne3A_61 = arith.xori %lt3A_56, %ne3A_60 : vector<1x25x1xi1>
    %and3A_62 = arith.andi %ne3A_61, %ne3A_54 : vector<1x25x1xi1>
    %add3A_63 = vector.broadcast %select_n3A_49 : i32 to vector<1x25x1xi32>
    %add3A_64 = arith.addi %rem3A_51, %add3A_63 : vector<1x25x1xi32>
    %select_n3A_65 = arith.select %and3A_62, %add3A_64, %rem3A_51 : vector<1x25x1xi1>, vector<1x25x1xi32>
    %iota3A_66 = tpu.iota {dimensions = array<i32: 2>} : vector<1x1x9x1xi32>
    %mul3A_67 = arith.constant 1.250000e-01 : f32
    %mul3A_68 = vector.broadcast %mul3A_67 : f32 to vector<16x64xf32>
    %mul3A_69 = arith.mulf %div3A_10, %mul3A_68 : vector<16x64xf32>
    %floor3A = math.floor %mul3A_69 : vector<16x64xf32>
    %convert_element_type3A = arith.fptosi %floor3A : vector<16x64xf32> to vector<16x64xi32>
    %sub3A_70 = arith.constant 2 : i32
    %sub3A_71 = vector.broadcast %sub3A_70 : i32 to vector<16x64xi32>
    %sub3A_72 = arith.subi %convert_element_type3A, %sub3A_71 : vector<16x64xi32>
    %jit3A_73 = arith.constant 0 : i32
    %jit3A_74 = arith.constant 75 : i32
    %max3A = vector.broadcast %jit3A_73 : i32 to vector<16x64xi32>
    %max3A_75 = arith.maxsi %max3A, %sub3A_72 : vector<16x64xi32>
    %min3A = vector.broadcast %jit3A_74 : i32 to vector<16x64xi32>
    %min3A_76 = arith.minsi %min3A, %max3A_75 : vector<16x64xi32>
    %mul3A_77 = arith.constant 1.250000e-01 : f32
    %mul3A_78 = vector.broadcast %mul3A_77 : f32 to vector<16x64xf32>
    %mul3A_79 = arith.mulf %div3A_14, %mul3A_78 : vector<16x64xf32>
    %floor3A_80 = math.floor %mul3A_79 : vector<16x64xf32>
    %convert_element_type3A_81 = arith.fptosi %floor3A_80 : vector<16x64xf32> to vector<16x64xi32>
    %sub3A_82 = arith.constant 2 : i32
    %sub3A_83 = vector.broadcast %sub3A_82 : i32 to vector<16x64xi32>
    %sub3A_84 = arith.subi %convert_element_type3A_81, %sub3A_83 : vector<16x64xi32>
    %jit3A_85 = arith.constant 0 : i32
    %jit3A_86 = arith.constant 75 : i32
    %max3A_87 = vector.broadcast %jit3A_85 : i32 to vector<16x64xi32>
    %max3A_88 = arith.maxsi %max3A_87, %sub3A_84 : vector<16x64xi32>
    %min3A_89 = vector.broadcast %jit3A_86 : i32 to vector<16x64xi32>
    %min3A_90 = arith.minsi %min3A_89, %max3A_88 : vector<16x64xi32>
    %broadcast_in_dim3A = vector.shape_cast %min3A_76 : vector<16x64xi32> to vector<16x1x64xi32>
    %add3A_91 = vector.broadcast %broadcast_in_dim3A : vector<16x1x64xi32> to vector<16x25x64xi32>
    %add3A_92 = vector.broadcast %select_n3A_65 : vector<1x25x1xi32> to vector<16x25x64xi32>
    %add3A_93 = arith.addi %add3A_91, %add3A_92 : vector<16x25x64xi32>
    %broadcast_in_dim3A_94 = vector.shape_cast %min3A_90 : vector<16x64xi32> to vector<16x1x64xi32>
    %add3A_95 = vector.broadcast %broadcast_in_dim3A_94 : vector<16x1x64xi32> to vector<16x25x64xi32>
    %add3A_96 = vector.broadcast %select_n3A : vector<1x25x1xi32> to vector<16x25x64xi32>
    %add3A_97 = arith.addi %add3A_95, %add3A_96 : vector<16x25x64xi32>
    %mul3A_98 = arith.constant 80 : i32
    %mul3A_99 = vector.broadcast %mul3A_98 : i32 to vector<16x25x64xi32>
    %mul3A_100 = arith.muli %add3A_97, %mul3A_99 : vector<16x25x64xi32>
    %add3A_101 = arith.addi %mul3A_100, %add3A_93 : vector<16x25x64xi32>
    %convert_element_type3A_102 = arith.sitofp %add3A_93 : vector<16x25x64xi32> to vector<16x25x64xf32>
    %add3A_103 = arith.constant 5.000000e-01 : f32
    %add3A_104 = vector.broadcast %add3A_103 : f32 to vector<16x25x64xf32>
    %add3A_105 = arith.addf %convert_element_type3A_102, %add3A_104 : vector<16x25x64xf32>
    %mul3A_106 = arith.constant 8.000000e+00 : f32
    %mul3A_107 = vector.broadcast %mul3A_106 : f32 to vector<16x25x64xf32>
    %mul3A_108 = arith.mulf %add3A_105, %mul3A_107 : vector<16x25x64xf32>
    %convert_element_type3A_109 = arith.sitofp %add3A_97 : vector<16x25x64xi32> to vector<16x25x64xf32>
    %add3A_110 = arith.constant 5.000000e-01 : f32
    %add3A_111 = vector.broadcast %add3A_110 : f32 to vector<16x25x64xf32>
    %add3A_112 = arith.addf %convert_element_type3A_109, %add3A_111 : vector<16x25x64xf32>
    %mul3A_113 = arith.constant 8.000000e+00 : f32
    %mul3A_114 = vector.broadcast %mul3A_113 : f32 to vector<16x25x64xf32>
    %mul3A_115 = arith.mulf %add3A_112, %mul3A_114 : vector<16x25x64xf32>
    %broadcast_in_dim3A_116 = vector.shape_cast %div3A_10 : vector<16x64xf32> to vector<16x1x64xf32>
    %sub3A_117 = vector.broadcast %broadcast_in_dim3A_116 : vector<16x1x64xf32> to vector<16x25x64xf32>
    %sub3A_118 = arith.subf %mul3A_108, %sub3A_117 : vector<16x25x64xf32>
    %broadcast_in_dim3A_119 = vector.shape_cast %div3A_14 : vector<16x64xf32> to vector<16x1x64xf32>
    %sub3A_120 = vector.broadcast %broadcast_in_dim3A_119 : vector<16x1x64xf32> to vector<16x25x64xf32>
    %sub3A_121 = arith.subf %mul3A_115, %sub3A_120 : vector<16x25x64xf32>
    %mul3A_122 = arith.mulf %sub3A_118, %sub3A_118 : vector<16x25x64xf32>
    %mul3A_123 = arith.mulf %sub3A_121, %sub3A_121 : vector<16x25x64xf32>
    %add3A_124 = arith.addf %mul3A_122, %mul3A_123 : vector<16x25x64xf32>
    %sqrt3A = math.sqrt %add3A_124 : vector<16x25x64xf32>
    %broadcast_in_dim3A_125 = vector.shape_cast %sqrt3A : vector<16x25x64xf32> to vector<16x25x1x64xf32>
    %broadcast_in_dim3A_126 = vector.shape_cast %sqrt3A : vector<16x25x64xf32> to vector<16x1x25x64xf32>
    %broadcast_in_dim3A_127 = vector.shape_cast %add3A_101 : vector<16x25x64xi32> to vector<16x25x1x64xi32>
    %broadcast_in_dim3A_128 = vector.shape_cast %add3A_101 : vector<16x25x64xi32> to vector<16x1x25x64xi32>
    %lt3A_129 = vector.broadcast %broadcast_in_dim3A_126 : vector<16x1x25x64xf32> to vector<16x25x25x64xf32>
    %lt3A_130 = vector.broadcast %broadcast_in_dim3A_125 : vector<16x25x1x64xf32> to vector<16x25x25x64xf32>
    %lt3A_131 = arith.cmpf olt, %lt3A_129, %lt3A_130 : vector<16x25x25x64xf32>
    %eq3A_132 = vector.broadcast %broadcast_in_dim3A_126 : vector<16x1x25x64xf32> to vector<16x25x25x64xf32>
    %eq3A_133 = vector.broadcast %broadcast_in_dim3A_125 : vector<16x25x1x64xf32> to vector<16x25x25x64xf32>
    %eq3A_134 = arith.cmpf oeq, %eq3A_132, %eq3A_133 : vector<16x25x25x64xf32>
    %lt3A_135 = vector.broadcast %broadcast_in_dim3A_128 : vector<16x1x25x64xi32> to vector<16x25x25x64xi32>
    %lt3A_136 = vector.broadcast %broadcast_in_dim3A_127 : vector<16x25x1x64xi32> to vector<16x25x25x64xi32>
    %lt3A_137 = arith.cmpi slt, %lt3A_135, %lt3A_136 : vector<16x25x25x64xi32>
    %and3A_138 = arith.andi %eq3A_134, %lt3A_137 : vector<16x25x25x64xi1>
    %or3A = arith.ori %lt3A_131, %and3A_138 : vector<16x25x25x64xi1>
    %convert_element_type3A_139 = arith.extui %or3A : vector<16x25x25x64xi1> to vector<16x25x25x64xi32>
    %reduce_sum3A = arith.constant dense<0> : vector<16x25x64xi32>
    %reduce_sum3A_140 = vector.multi_reduction <add>, %convert_element_type3A_139, %reduce_sum3A [2] : vector<16x25x25x64xi32> to vector<16x25x64xi32>
    %lt3A_141 = arith.constant 9 : i32
    %lt3A_142 = vector.broadcast %lt3A_141 : i32 to vector<16x25x64xi32>
    %lt3A_143 = arith.cmpi slt, %reduce_sum3A_140, %lt3A_142 : vector<16x25x64xi32>
    %sub3A_144 = arith.constant 2.000000e+01 : f32
    %sub3A_145 = vector.broadcast %sub3A_144 : f32 to vector<16x25x64xf32>
    %sub3A_146 = arith.subf %mul3A_108, %sub3A_145 : vector<16x25x64xf32>
    %sub3A_147 = arith.constant 2.000000e+01 : f32
    %sub3A_148 = vector.broadcast %sub3A_147 : f32 to vector<16x25x64xf32>
    %sub3A_149 = arith.subf %mul3A_115, %sub3A_148 : vector<16x25x64xf32>
    %add3A_150 = arith.constant 2.000000e+01 : f32
    %add3A_151 = vector.broadcast %add3A_150 : f32 to vector<16x25x64xf32>
    %add3A_152 = arith.addf %mul3A_108, %add3A_151 : vector<16x25x64xf32>
    %add3A_153 = arith.constant 2.000000e+01 : f32
    %add3A_154 = vector.broadcast %add3A_153 : f32 to vector<16x25x64xf32>
    %add3A_155 = arith.addf %mul3A_115, %add3A_154 : vector<16x25x64xf32>
    %sub3A_156 = arith.subf %add3A_152, %sub3A_146 : vector<16x25x64xf32>
    %sub3A_157 = arith.subf %add3A_155, %sub3A_149 : vector<16x25x64xf32>
    %mul3A_158 = arith.mulf %sub3A_156, %sub3A_157 : vector<16x25x64xf32>
    %broadcast_in_dim3A_159 = vector.shape_cast %squeeze3A : vector<16x64xf32> to vector<16x1x64xf32>
    %max3A_160 = vector.broadcast %broadcast_in_dim3A_159 : vector<16x1x64xf32> to vector<16x25x64xf32>
    %max3A_161 = arith.maximumf %sub3A_146, %max3A_160 : vector<16x25x64xf32>
    %broadcast_in_dim3A_162 = vector.shape_cast %squeeze3A_4 : vector<16x64xf32> to vector<16x1x64xf32>
    %max3A_163 = vector.broadcast %broadcast_in_dim3A_162 : vector<16x1x64xf32> to vector<16x25x64xf32>
    %max3A_164 = arith.maximumf %sub3A_149, %max3A_163 : vector<16x25x64xf32>
    %broadcast_in_dim3A_165 = vector.shape_cast %squeeze3A_6 : vector<16x64xf32> to vector<16x1x64xf32>
    %min3A_166 = vector.broadcast %broadcast_in_dim3A_165 : vector<16x1x64xf32> to vector<16x25x64xf32>
    %min3A_167 = arith.minimumf %add3A_152, %min3A_166 : vector<16x25x64xf32>
    %broadcast_in_dim3A_168 = vector.shape_cast %squeeze3A_8 : vector<16x64xf32> to vector<16x1x64xf32>
    %min3A_169 = vector.broadcast %broadcast_in_dim3A_168 : vector<16x1x64xf32> to vector<16x25x64xf32>
    %min3A_170 = arith.minimumf %add3A_155, %min3A_169 : vector<16x25x64xf32>
    %sub3A_171 = arith.subf %min3A_167, %max3A_161 : vector<16x25x64xf32>
    %jit3A_172 = arith.constant 0 : i32
    %convert_element_type3A_173 = arith.sitofp %jit3A_172 : i32 to f32
    %max3A_174 = vector.broadcast %convert_element_type3A_173 : f32 to vector<16x25x64xf32>
    %max3A_175 = arith.maximumf %max3A_174, %sub3A_171 : vector<16x25x64xf32>
    %sub3A_176 = arith.subf %min3A_170, %max3A_164 : vector<16x25x64xf32>
    %jit3A_177 = arith.constant 0 : i32
    %convert_element_type3A_178 = arith.sitofp %jit3A_177 : i32 to f32
    %max3A_179 = vector.broadcast %convert_element_type3A_178 : f32 to vector<16x25x64xf32>
    %max3A_180 = arith.maximumf %max3A_179, %sub3A_176 : vector<16x25x64xf32>
    %mul3A_181 = arith.mulf %max3A_175, %max3A_180 : vector<16x25x64xf32>
    %broadcast_in_dim3A_182 = vector.shape_cast %mul3A : vector<16x64xf32> to vector<16x1x64xf32>
    %add3A_183 = vector.broadcast %broadcast_in_dim3A_182 : vector<16x1x64xf32> to vector<16x25x64xf32>
    %add3A_184 = arith.addf %mul3A_158, %add3A_183 : vector<16x25x64xf32>
    %sub3A_185 = arith.subf %add3A_184, %mul3A_181 : vector<16x25x64xf32>
    %add3A_186 = arith.constant 9.99999971E-10 : f32
    %add3A_187 = vector.broadcast %add3A_186 : f32 to vector<16x25x64xf32>
    %add3A_188 = arith.addf %sub3A_185, %add3A_187 : vector<16x25x64xf32>
    %div3A_189 = arith.divf %mul3A_181, %add3A_188 : vector<16x25x64xf32>
    %broadcast_in_dim3A_190 = vector.shape_cast %squeeze3A : vector<16x64xf32> to vector<16x1x64xf32>
    %ge3A = vector.broadcast %broadcast_in_dim3A_190 : vector<16x1x64xf32> to vector<16x25x64xf32>
    %ge3A_191 = arith.cmpf oge, %mul3A_108, %ge3A : vector<16x25x64xf32>
    %broadcast_in_dim3A_192 = vector.shape_cast %squeeze3A_6 : vector<16x64xf32> to vector<16x1x64xf32>
    %le3A = vector.broadcast %broadcast_in_dim3A_192 : vector<16x1x64xf32> to vector<16x25x64xf32>
    %le3A_193 = arith.cmpf ole, %mul3A_108, %le3A : vector<16x25x64xf32>
    %and3A_194 = arith.andi %ge3A_191, %le3A_193 : vector<16x25x64xi1>
    %broadcast_in_dim3A_195 = vector.shape_cast %squeeze3A_4 : vector<16x64xf32> to vector<16x1x64xf32>
    %ge3A_196 = vector.broadcast %broadcast_in_dim3A_195 : vector<16x1x64xf32> to vector<16x25x64xf32>
    %ge3A_197 = arith.cmpf oge, %mul3A_115, %ge3A_196 : vector<16x25x64xf32>
    %and3A_198 = arith.andi %and3A_194, %ge3A_197 : vector<16x25x64xi1>
    %broadcast_in_dim3A_199 = vector.shape_cast %squeeze3A_8 : vector<16x64xf32> to vector<16x1x64xf32>
    %le3A_200 = vector.broadcast %broadcast_in_dim3A_199 : vector<16x1x64xf32> to vector<16x25x64xf32>
    %le3A_201 = arith.cmpf ole, %mul3A_115, %le3A_200 : vector<16x25x64xf32>
    %and3A_202 = arith.andi %and3A_198, %le3A_201 : vector<16x25x64xi1>
    %broadcast_in_dim3A_203 = vector.shape_cast %reduce_sum3A_140 : vector<16x25x64xi32> to vector<16x25x1x64xi32>
    %eq3A_204 = vector.broadcast %broadcast_in_dim3A_203 : vector<16x25x1x64xi32> to vector<16x25x9x64xi32>
    %eq3A_205 = vector.broadcast %iota3A_66 : vector<1x1x9x1xi32> to vector<16x25x9x64xi32>
    %eq3A_206 = arith.cmpi eq, %eq3A_204, %eq3A_205 : vector<16x25x9x64xi32>
    %broadcast_in_dim3A_207 = vector.shape_cast %lt3A_143 : vector<16x25x64xi1> to vector<16x25x1x64xi1>
    %and3A_208 = vector.broadcast %broadcast_in_dim3A_207 : vector<16x25x1x64xi1> to vector<16x25x9x64xi1>
    %and3A_209 = arith.andi %eq3A_206, %and3A_208 : vector<16x25x9x64xi1>
    %convert_element_type3A_210 = arith.extui %and3A_209 : vector<16x25x9x64xi1> to vector<16x25x9x64xi32>
    %convert_element_type3A_211 = arith.sitofp %convert_element_type3A_210 : vector<16x25x9x64xi32> to vector<16x25x9x64xf32>
    %broadcast_in_dim3A_212 = vector.shape_cast %div3A_189 : vector<16x25x64xf32> to vector<16x25x1x64xf32>
    %mul3A_213 = vector.broadcast %broadcast_in_dim3A_212 : vector<16x25x1x64xf32> to vector<16x25x9x64xf32>
    %mul3A_214 = arith.mulf %mul3A_213, %convert_element_type3A_211 : vector<16x25x9x64xf32>
    %reduce_sum3A_215 = arith.constant dense<0.000000e+00> : vector<16x9x64xf32>
    %reduce_sum3A_216 = vector.multi_reduction <add>, %mul3A_214, %reduce_sum3A_215 [1] : vector<16x25x9x64xf32> to vector<16x9x64xf32>
    %broadcast_in_dim3A_217 = vector.shape_cast %add3A_101 : vector<16x25x64xi32> to vector<16x25x1x64xi32>
    %add3A_218 = arith.constant 0 : i32
    %add3A_219 = vector.broadcast %add3A_218 : i32 to vector<16x25x1x64xi32>
    %add3A_220 = arith.addi %broadcast_in_dim3A_217, %add3A_219 : vector<16x25x1x64xi32>
    %convert_element_type3A_221 = arith.extui %and3A_209 : vector<16x25x9x64xi1> to vector<16x25x9x64xi32>
    %mul3A_222 = vector.broadcast %add3A_220 : vector<16x25x1x64xi32> to vector<16x25x9x64xi32>
    %mul3A_223 = arith.muli %mul3A_222, %convert_element_type3A_221 : vector<16x25x9x64xi32>
    %reduce_sum3A_224 = arith.constant dense<0> : vector<16x9x64xi32>
    %reduce_sum3A_225 = vector.multi_reduction <add>, %mul3A_223, %reduce_sum3A_224 [1] : vector<16x25x9x64xi32> to vector<16x9x64xi32>
    %broadcast_in_dim3A_226 = vector.shape_cast %and3A_202 : vector<16x25x64xi1> to vector<16x25x1x64xi1>
    %and3A_227 = vector.broadcast %broadcast_in_dim3A_226 : vector<16x25x1x64xi1> to vector<16x25x9x64xi1>
    %and3A_228 = arith.andi %and3A_227, %and3A_209 : vector<16x25x9x64xi1>
    %convert_element_type3A_229 = arith.extui %and3A_228 : vector<16x25x9x64xi1> to vector<16x25x9x64xi32>
    %reduce_sum3A_230 = arith.constant dense<0> : vector<16x9x64xi32>
    %reduce_sum3A_231 = vector.multi_reduction <add>, %convert_element_type3A_229, %reduce_sum3A_230 [1] : vector<16x25x9x64xi32> to vector<16x9x64xi32>
    %mul3A_232 = arith.constant 6.250000e-02 : f32
    %mul3A_233 = vector.broadcast %mul3A_232 : f32 to vector<16x64xf32>
    %mul3A_234 = arith.mulf %div3A_10, %mul3A_233 : vector<16x64xf32>
    %floor3A_235 = math.floor %mul3A_234 : vector<16x64xf32>
    %convert_element_type3A_236 = arith.fptosi %floor3A_235 : vector<16x64xf32> to vector<16x64xi32>
    %sub3A_237 = arith.constant 2 : i32
    %sub3A_238 = vector.broadcast %sub3A_237 : i32 to vector<16x64xi32>
    %sub3A_239 = arith.subi %convert_element_type3A_236, %sub3A_238 : vector<16x64xi32>
    %jit3A_240 = arith.constant 0 : i32
    %jit3A_241 = arith.constant 35 : i32
    %max3A_242 = vector.broadcast %jit3A_240 : i32 to vector<16x64xi32>
    %max3A_243 = arith.maxsi %max3A_242, %sub3A_239 : vector<16x64xi32>
    %min3A_244 = vector.broadcast %jit3A_241 : i32 to vector<16x64xi32>
    %min3A_245 = arith.minsi %min3A_244, %max3A_243 : vector<16x64xi32>
    %mul3A_246 = arith.constant 6.250000e-02 : f32
    %mul3A_247 = vector.broadcast %mul3A_246 : f32 to vector<16x64xf32>
    %mul3A_248 = arith.mulf %div3A_14, %mul3A_247 : vector<16x64xf32>
    %floor3A_249 = math.floor %mul3A_248 : vector<16x64xf32>
    %convert_element_type3A_250 = arith.fptosi %floor3A_249 : vector<16x64xf32> to vector<16x64xi32>
    %sub3A_251 = arith.constant 2 : i32
    %sub3A_252 = vector.broadcast %sub3A_251 : i32 to vector<16x64xi32>
    %sub3A_253 = arith.subi %convert_element_type3A_250, %sub3A_252 : vector<16x64xi32>
    %jit3A_254 = arith.constant 0 : i32
    %jit3A_255 = arith.constant 35 : i32
    %max3A_256 = vector.broadcast %jit3A_254 : i32 to vector<16x64xi32>
    %max3A_257 = arith.maxsi %max3A_256, %sub3A_253 : vector<16x64xi32>
    %min3A_258 = vector.broadcast %jit3A_255 : i32 to vector<16x64xi32>
    %min3A_259 = arith.minsi %min3A_258, %max3A_257 : vector<16x64xi32>
    %broadcast_in_dim3A_260 = vector.shape_cast %min3A_245 : vector<16x64xi32> to vector<16x1x64xi32>
    %add3A_261 = vector.broadcast %broadcast_in_dim3A_260 : vector<16x1x64xi32> to vector<16x25x64xi32>
    %add3A_262 = vector.broadcast %select_n3A_65 : vector<1x25x1xi32> to vector<16x25x64xi32>
    %add3A_263 = arith.addi %add3A_261, %add3A_262 : vector<16x25x64xi32>
    %broadcast_in_dim3A_264 = vector.shape_cast %min3A_259 : vector<16x64xi32> to vector<16x1x64xi32>
    %add3A_265 = vector.broadcast %broadcast_in_dim3A_264 : vector<16x1x64xi32> to vector<16x25x64xi32>
    %add3A_266 = vector.broadcast %select_n3A : vector<1x25x1xi32> to vector<16x25x64xi32>
    %add3A_267 = arith.addi %add3A_265, %add3A_266 : vector<16x25x64xi32>
    %mul3A_268 = arith.constant 40 : i32
    %mul3A_269 = vector.broadcast %mul3A_268 : i32 to vector<16x25x64xi32>
    %mul3A_270 = arith.muli %add3A_267, %mul3A_269 : vector<16x25x64xi32>
    %add3A_271 = arith.addi %mul3A_270, %add3A_263 : vector<16x25x64xi32>
    %convert_element_type3A_272 = arith.sitofp %add3A_263 : vector<16x25x64xi32> to vector<16x25x64xf32>
    %add3A_273 = arith.constant 5.000000e-01 : f32
    %add3A_274 = vector.broadcast %add3A_273 : f32 to vector<16x25x64xf32>
    %add3A_275 = arith.addf %convert_element_type3A_272, %add3A_274 : vector<16x25x64xf32>
    %mul3A_276 = arith.constant 1.600000e+01 : f32
    %mul3A_277 = vector.broadcast %mul3A_276 : f32 to vector<16x25x64xf32>
    %mul3A_278 = arith.mulf %add3A_275, %mul3A_277 : vector<16x25x64xf32>
    %convert_element_type3A_279 = arith.sitofp %add3A_267 : vector<16x25x64xi32> to vector<16x25x64xf32>
    %add3A_280 = arith.constant 5.000000e-01 : f32
    %add3A_281 = vector.broadcast %add3A_280 : f32 to vector<16x25x64xf32>
    %add3A_282 = arith.addf %convert_element_type3A_279, %add3A_281 : vector<16x25x64xf32>
    %mul3A_283 = arith.constant 1.600000e+01 : f32
    %mul3A_284 = vector.broadcast %mul3A_283 : f32 to vector<16x25x64xf32>
    %mul3A_285 = arith.mulf %add3A_282, %mul3A_284 : vector<16x25x64xf32>
    %broadcast_in_dim3A_286 = vector.shape_cast %div3A_10 : vector<16x64xf32> to vector<16x1x64xf32>
    %sub3A_287 = vector.broadcast %broadcast_in_dim3A_286 : vector<16x1x64xf32> to vector<16x25x64xf32>
    %sub3A_288 = arith.subf %mul3A_278, %sub3A_287 : vector<16x25x64xf32>
    %broadcast_in_dim3A_289 = vector.shape_cast %div3A_14 : vector<16x64xf32> to vector<16x1x64xf32>
    %sub3A_290 = vector.broadcast %broadcast_in_dim3A_289 : vector<16x1x64xf32> to vector<16x25x64xf32>
    %sub3A_291 = arith.subf %mul3A_285, %sub3A_290 : vector<16x25x64xf32>
    %mul3A_292 = arith.mulf %sub3A_288, %sub3A_288 : vector<16x25x64xf32>
    %mul3A_293 = arith.mulf %sub3A_291, %sub3A_291 : vector<16x25x64xf32>
    %add3A_294 = arith.addf %mul3A_292, %mul3A_293 : vector<16x25x64xf32>
    %sqrt3A_295 = math.sqrt %add3A_294 : vector<16x25x64xf32>
    %broadcast_in_dim3A_296 = vector.shape_cast %sqrt3A_295 : vector<16x25x64xf32> to vector<16x25x1x64xf32>
    %broadcast_in_dim3A_297 = vector.shape_cast %sqrt3A_295 : vector<16x25x64xf32> to vector<16x1x25x64xf32>
    %broadcast_in_dim3A_298 = vector.shape_cast %add3A_271 : vector<16x25x64xi32> to vector<16x25x1x64xi32>
    %broadcast_in_dim3A_299 = vector.shape_cast %add3A_271 : vector<16x25x64xi32> to vector<16x1x25x64xi32>
    %lt3A_300 = vector.broadcast %broadcast_in_dim3A_297 : vector<16x1x25x64xf32> to vector<16x25x25x64xf32>
    %lt3A_301 = vector.broadcast %broadcast_in_dim3A_296 : vector<16x25x1x64xf32> to vector<16x25x25x64xf32>
    %lt3A_302 = arith.cmpf olt, %lt3A_300, %lt3A_301 : vector<16x25x25x64xf32>
    %eq3A_303 = vector.broadcast %broadcast_in_dim3A_297 : vector<16x1x25x64xf32> to vector<16x25x25x64xf32>
    %eq3A_304 = vector.broadcast %broadcast_in_dim3A_296 : vector<16x25x1x64xf32> to vector<16x25x25x64xf32>
    %eq3A_305 = arith.cmpf oeq, %eq3A_303, %eq3A_304 : vector<16x25x25x64xf32>
    %lt3A_306 = vector.broadcast %broadcast_in_dim3A_299 : vector<16x1x25x64xi32> to vector<16x25x25x64xi32>
    %lt3A_307 = vector.broadcast %broadcast_in_dim3A_298 : vector<16x25x1x64xi32> to vector<16x25x25x64xi32>
    %lt3A_308 = arith.cmpi slt, %lt3A_306, %lt3A_307 : vector<16x25x25x64xi32>
    %and3A_309 = arith.andi %eq3A_305, %lt3A_308 : vector<16x25x25x64xi1>
    %or3A_310 = arith.ori %lt3A_302, %and3A_309 : vector<16x25x25x64xi1>
    %convert_element_type3A_311 = arith.extui %or3A_310 : vector<16x25x25x64xi1> to vector<16x25x25x64xi32>
    %reduce_sum3A_312 = arith.constant dense<0> : vector<16x25x64xi32>
    %reduce_sum3A_313 = vector.multi_reduction <add>, %convert_element_type3A_311, %reduce_sum3A_312 [2] : vector<16x25x25x64xi32> to vector<16x25x64xi32>
    %lt3A_314 = arith.constant 9 : i32
    %lt3A_315 = vector.broadcast %lt3A_314 : i32 to vector<16x25x64xi32>
    %lt3A_316 = arith.cmpi slt, %reduce_sum3A_313, %lt3A_315 : vector<16x25x64xi32>
    %sub3A_317 = arith.constant 4.000000e+01 : f32
    %sub3A_318 = vector.broadcast %sub3A_317 : f32 to vector<16x25x64xf32>
    %sub3A_319 = arith.subf %mul3A_278, %sub3A_318 : vector<16x25x64xf32>
    %sub3A_320 = arith.constant 4.000000e+01 : f32
    %sub3A_321 = vector.broadcast %sub3A_320 : f32 to vector<16x25x64xf32>
    %sub3A_322 = arith.subf %mul3A_285, %sub3A_321 : vector<16x25x64xf32>
    %add3A_323 = arith.constant 4.000000e+01 : f32
    %add3A_324 = vector.broadcast %add3A_323 : f32 to vector<16x25x64xf32>
    %add3A_325 = arith.addf %mul3A_278, %add3A_324 : vector<16x25x64xf32>
    %add3A_326 = arith.constant 4.000000e+01 : f32
    %add3A_327 = vector.broadcast %add3A_326 : f32 to vector<16x25x64xf32>
    %add3A_328 = arith.addf %mul3A_285, %add3A_327 : vector<16x25x64xf32>
    %sub3A_329 = arith.subf %add3A_325, %sub3A_319 : vector<16x25x64xf32>
    %sub3A_330 = arith.subf %add3A_328, %sub3A_322 : vector<16x25x64xf32>
    %mul3A_331 = arith.mulf %sub3A_329, %sub3A_330 : vector<16x25x64xf32>
    %broadcast_in_dim3A_332 = vector.shape_cast %squeeze3A : vector<16x64xf32> to vector<16x1x64xf32>
    %max3A_333 = vector.broadcast %broadcast_in_dim3A_332 : vector<16x1x64xf32> to vector<16x25x64xf32>
    %max3A_334 = arith.maximumf %sub3A_319, %max3A_333 : vector<16x25x64xf32>
    %broadcast_in_dim3A_335 = vector.shape_cast %squeeze3A_4 : vector<16x64xf32> to vector<16x1x64xf32>
    %max3A_336 = vector.broadcast %broadcast_in_dim3A_335 : vector<16x1x64xf32> to vector<16x25x64xf32>
    %max3A_337 = arith.maximumf %sub3A_322, %max3A_336 : vector<16x25x64xf32>
    %broadcast_in_dim3A_338 = vector.shape_cast %squeeze3A_6 : vector<16x64xf32> to vector<16x1x64xf32>
    %min3A_339 = vector.broadcast %broadcast_in_dim3A_338 : vector<16x1x64xf32> to vector<16x25x64xf32>
    %min3A_340 = arith.minimumf %add3A_325, %min3A_339 : vector<16x25x64xf32>
    %broadcast_in_dim3A_341 = vector.shape_cast %squeeze3A_8 : vector<16x64xf32> to vector<16x1x64xf32>
    %min3A_342 = vector.broadcast %broadcast_in_dim3A_341 : vector<16x1x64xf32> to vector<16x25x64xf32>
    %min3A_343 = arith.minimumf %add3A_328, %min3A_342 : vector<16x25x64xf32>
    %sub3A_344 = arith.subf %min3A_340, %max3A_334 : vector<16x25x64xf32>
    %jit3A_345 = arith.constant 0 : i32
    %convert_element_type3A_346 = arith.sitofp %jit3A_345 : i32 to f32
    %max3A_347 = vector.broadcast %convert_element_type3A_346 : f32 to vector<16x25x64xf32>
    %max3A_348 = arith.maximumf %max3A_347, %sub3A_344 : vector<16x25x64xf32>
    %sub3A_349 = arith.subf %min3A_343, %max3A_337 : vector<16x25x64xf32>
    %jit3A_350 = arith.constant 0 : i32
    %convert_element_type3A_351 = arith.sitofp %jit3A_350 : i32 to f32
    %max3A_352 = vector.broadcast %convert_element_type3A_351 : f32 to vector<16x25x64xf32>
    %max3A_353 = arith.maximumf %max3A_352, %sub3A_349 : vector<16x25x64xf32>
    %mul3A_354 = arith.mulf %max3A_348, %max3A_353 : vector<16x25x64xf32>
    %broadcast_in_dim3A_355 = vector.shape_cast %mul3A : vector<16x64xf32> to vector<16x1x64xf32>
    %add3A_356 = vector.broadcast %broadcast_in_dim3A_355 : vector<16x1x64xf32> to vector<16x25x64xf32>
    %add3A_357 = arith.addf %mul3A_331, %add3A_356 : vector<16x25x64xf32>
    %sub3A_358 = arith.subf %add3A_357, %mul3A_354 : vector<16x25x64xf32>
    %add3A_359 = arith.constant 9.99999971E-10 : f32
    %add3A_360 = vector.broadcast %add3A_359 : f32 to vector<16x25x64xf32>
    %add3A_361 = arith.addf %sub3A_358, %add3A_360 : vector<16x25x64xf32>
    %div3A_362 = arith.divf %mul3A_354, %add3A_361 : vector<16x25x64xf32>
    %broadcast_in_dim3A_363 = vector.shape_cast %squeeze3A : vector<16x64xf32> to vector<16x1x64xf32>
    %ge3A_364 = vector.broadcast %broadcast_in_dim3A_363 : vector<16x1x64xf32> to vector<16x25x64xf32>
    %ge3A_365 = arith.cmpf oge, %mul3A_278, %ge3A_364 : vector<16x25x64xf32>
    %broadcast_in_dim3A_366 = vector.shape_cast %squeeze3A_6 : vector<16x64xf32> to vector<16x1x64xf32>
    %le3A_367 = vector.broadcast %broadcast_in_dim3A_366 : vector<16x1x64xf32> to vector<16x25x64xf32>
    %le3A_368 = arith.cmpf ole, %mul3A_278, %le3A_367 : vector<16x25x64xf32>
    %and3A_369 = arith.andi %ge3A_365, %le3A_368 : vector<16x25x64xi1>
    %broadcast_in_dim3A_370 = vector.shape_cast %squeeze3A_4 : vector<16x64xf32> to vector<16x1x64xf32>
    %ge3A_371 = vector.broadcast %broadcast_in_dim3A_370 : vector<16x1x64xf32> to vector<16x25x64xf32>
    %ge3A_372 = arith.cmpf oge, %mul3A_285, %ge3A_371 : vector<16x25x64xf32>
    %and3A_373 = arith.andi %and3A_369, %ge3A_372 : vector<16x25x64xi1>
    %broadcast_in_dim3A_374 = vector.shape_cast %squeeze3A_8 : vector<16x64xf32> to vector<16x1x64xf32>
    %le3A_375 = vector.broadcast %broadcast_in_dim3A_374 : vector<16x1x64xf32> to vector<16x25x64xf32>
    %le3A_376 = arith.cmpf ole, %mul3A_285, %le3A_375 : vector<16x25x64xf32>
    %and3A_377 = arith.andi %and3A_373, %le3A_376 : vector<16x25x64xi1>
    %broadcast_in_dim3A_378 = vector.shape_cast %reduce_sum3A_313 : vector<16x25x64xi32> to vector<16x25x1x64xi32>
    %eq3A_379 = vector.broadcast %broadcast_in_dim3A_378 : vector<16x25x1x64xi32> to vector<16x25x9x64xi32>
    %eq3A_380 = vector.broadcast %iota3A_66 : vector<1x1x9x1xi32> to vector<16x25x9x64xi32>
    %eq3A_381 = arith.cmpi eq, %eq3A_379, %eq3A_380 : vector<16x25x9x64xi32>
    %broadcast_in_dim3A_382 = vector.shape_cast %lt3A_316 : vector<16x25x64xi1> to vector<16x25x1x64xi1>
    %and3A_383 = vector.broadcast %broadcast_in_dim3A_382 : vector<16x25x1x64xi1> to vector<16x25x9x64xi1>
    %and3A_384 = arith.andi %eq3A_381, %and3A_383 : vector<16x25x9x64xi1>
    %convert_element_type3A_385 = arith.extui %and3A_384 : vector<16x25x9x64xi1> to vector<16x25x9x64xi32>
    %convert_element_type3A_386 = arith.sitofp %convert_element_type3A_385 : vector<16x25x9x64xi32> to vector<16x25x9x64xf32>
    %broadcast_in_dim3A_387 = vector.shape_cast %div3A_362 : vector<16x25x64xf32> to vector<16x25x1x64xf32>
    %mul3A_388 = vector.broadcast %broadcast_in_dim3A_387 : vector<16x25x1x64xf32> to vector<16x25x9x64xf32>
    %mul3A_389 = arith.mulf %mul3A_388, %convert_element_type3A_386 : vector<16x25x9x64xf32>
    %reduce_sum3A_390 = arith.constant dense<0.000000e+00> : vector<16x9x64xf32>
    %reduce_sum3A_391 = vector.multi_reduction <add>, %mul3A_389, %reduce_sum3A_390 [1] : vector<16x25x9x64xf32> to vector<16x9x64xf32>
    %broadcast_in_dim3A_392 = vector.shape_cast %add3A_271 : vector<16x25x64xi32> to vector<16x25x1x64xi32>
    %add3A_393 = arith.constant 6400 : i32
    %add3A_394 = vector.broadcast %add3A_393 : i32 to vector<16x25x1x64xi32>
    %add3A_395 = arith.addi %broadcast_in_dim3A_392, %add3A_394 : vector<16x25x1x64xi32>
    %convert_element_type3A_396 = arith.extui %and3A_384 : vector<16x25x9x64xi1> to vector<16x25x9x64xi32>
    %mul3A_397 = vector.broadcast %add3A_395 : vector<16x25x1x64xi32> to vector<16x25x9x64xi32>
    %mul3A_398 = arith.muli %mul3A_397, %convert_element_type3A_396 : vector<16x25x9x64xi32>
    %reduce_sum3A_399 = arith.constant dense<0> : vector<16x9x64xi32>
    %reduce_sum3A_400 = vector.multi_reduction <add>, %mul3A_398, %reduce_sum3A_399 [1] : vector<16x25x9x64xi32> to vector<16x9x64xi32>
    %broadcast_in_dim3A_401 = vector.shape_cast %and3A_377 : vector<16x25x64xi1> to vector<16x25x1x64xi1>
    %and3A_402 = vector.broadcast %broadcast_in_dim3A_401 : vector<16x25x1x64xi1> to vector<16x25x9x64xi1>
    %and3A_403 = arith.andi %and3A_402, %and3A_384 : vector<16x25x9x64xi1>
    %convert_element_type3A_404 = arith.extui %and3A_403 : vector<16x25x9x64xi1> to vector<16x25x9x64xi32>
    %reduce_sum3A_405 = arith.constant dense<0> : vector<16x9x64xi32>
    %reduce_sum3A_406 = vector.multi_reduction <add>, %convert_element_type3A_404, %reduce_sum3A_405 [1] : vector<16x25x9x64xi32> to vector<16x9x64xi32>
    %mul3A_407 = arith.constant 3.125000e-02 : f32
    %mul3A_408 = vector.broadcast %mul3A_407 : f32 to vector<16x64xf32>
    %mul3A_409 = arith.mulf %div3A_10, %mul3A_408 : vector<16x64xf32>
    %floor3A_410 = math.floor %mul3A_409 : vector<16x64xf32>
    %convert_element_type3A_411 = arith.fptosi %floor3A_410 : vector<16x64xf32> to vector<16x64xi32>
    %sub3A_412 = arith.constant 2 : i32
    %sub3A_413 = vector.broadcast %sub3A_412 : i32 to vector<16x64xi32>
    %sub3A_414 = arith.subi %convert_element_type3A_411, %sub3A_413 : vector<16x64xi32>
    %jit3A_415 = arith.constant 0 : i32
    %jit3A_416 = arith.constant 15 : i32
    %max3A_417 = vector.broadcast %jit3A_415 : i32 to vector<16x64xi32>
    %max3A_418 = arith.maxsi %max3A_417, %sub3A_414 : vector<16x64xi32>
    %min3A_419 = vector.broadcast %jit3A_416 : i32 to vector<16x64xi32>
    %min3A_420 = arith.minsi %min3A_419, %max3A_418 : vector<16x64xi32>
    %mul3A_421 = arith.constant 3.125000e-02 : f32
    %mul3A_422 = vector.broadcast %mul3A_421 : f32 to vector<16x64xf32>
    %mul3A_423 = arith.mulf %div3A_14, %mul3A_422 : vector<16x64xf32>
    %floor3A_424 = math.floor %mul3A_423 : vector<16x64xf32>
    %convert_element_type3A_425 = arith.fptosi %floor3A_424 : vector<16x64xf32> to vector<16x64xi32>
    %sub3A_426 = arith.constant 2 : i32
    %sub3A_427 = vector.broadcast %sub3A_426 : i32 to vector<16x64xi32>
    %sub3A_428 = arith.subi %convert_element_type3A_425, %sub3A_427 : vector<16x64xi32>
    %jit3A_429 = arith.constant 0 : i32
    %jit3A_430 = arith.constant 15 : i32
    %max3A_431 = vector.broadcast %jit3A_429 : i32 to vector<16x64xi32>
    %max3A_432 = arith.maxsi %max3A_431, %sub3A_428 : vector<16x64xi32>
    %min3A_433 = vector.broadcast %jit3A_430 : i32 to vector<16x64xi32>
    %min3A_434 = arith.minsi %min3A_433, %max3A_432 : vector<16x64xi32>
    %broadcast_in_dim3A_435 = vector.shape_cast %min3A_420 : vector<16x64xi32> to vector<16x1x64xi32>
    %add3A_436 = vector.broadcast %broadcast_in_dim3A_435 : vector<16x1x64xi32> to vector<16x25x64xi32>
    %add3A_437 = vector.broadcast %select_n3A_65 : vector<1x25x1xi32> to vector<16x25x64xi32>
    %add3A_438 = arith.addi %add3A_436, %add3A_437 : vector<16x25x64xi32>
    %broadcast_in_dim3A_439 = vector.shape_cast %min3A_434 : vector<16x64xi32> to vector<16x1x64xi32>
    %add3A_440 = vector.broadcast %broadcast_in_dim3A_439 : vector<16x1x64xi32> to vector<16x25x64xi32>
    %add3A_441 = vector.broadcast %select_n3A : vector<1x25x1xi32> to vector<16x25x64xi32>
    %add3A_442 = arith.addi %add3A_440, %add3A_441 : vector<16x25x64xi32>
    %mul3A_443 = arith.constant 20 : i32
    %mul3A_444 = vector.broadcast %mul3A_443 : i32 to vector<16x25x64xi32>
    %mul3A_445 = arith.muli %add3A_442, %mul3A_444 : vector<16x25x64xi32>
    %add3A_446 = arith.addi %mul3A_445, %add3A_438 : vector<16x25x64xi32>
    %convert_element_type3A_447 = arith.sitofp %add3A_438 : vector<16x25x64xi32> to vector<16x25x64xf32>
    %add3A_448 = arith.constant 5.000000e-01 : f32
    %add3A_449 = vector.broadcast %add3A_448 : f32 to vector<16x25x64xf32>
    %add3A_450 = arith.addf %convert_element_type3A_447, %add3A_449 : vector<16x25x64xf32>
    %mul3A_451 = arith.constant 3.200000e+01 : f32
    %mul3A_452 = vector.broadcast %mul3A_451 : f32 to vector<16x25x64xf32>
    %mul3A_453 = arith.mulf %add3A_450, %mul3A_452 : vector<16x25x64xf32>
    %convert_element_type3A_454 = arith.sitofp %add3A_442 : vector<16x25x64xi32> to vector<16x25x64xf32>
    %add3A_455 = arith.constant 5.000000e-01 : f32
    %add3A_456 = vector.broadcast %add3A_455 : f32 to vector<16x25x64xf32>
    %add3A_457 = arith.addf %convert_element_type3A_454, %add3A_456 : vector<16x25x64xf32>
    %mul3A_458 = arith.constant 3.200000e+01 : f32
    %mul3A_459 = vector.broadcast %mul3A_458 : f32 to vector<16x25x64xf32>
    %mul3A_460 = arith.mulf %add3A_457, %mul3A_459 : vector<16x25x64xf32>
    %broadcast_in_dim3A_461 = vector.shape_cast %div3A_10 : vector<16x64xf32> to vector<16x1x64xf32>
    %sub3A_462 = vector.broadcast %broadcast_in_dim3A_461 : vector<16x1x64xf32> to vector<16x25x64xf32>
    %sub3A_463 = arith.subf %mul3A_453, %sub3A_462 : vector<16x25x64xf32>
    %broadcast_in_dim3A_464 = vector.shape_cast %div3A_14 : vector<16x64xf32> to vector<16x1x64xf32>
    %sub3A_465 = vector.broadcast %broadcast_in_dim3A_464 : vector<16x1x64xf32> to vector<16x25x64xf32>
    %sub3A_466 = arith.subf %mul3A_460, %sub3A_465 : vector<16x25x64xf32>
    %mul3A_467 = arith.mulf %sub3A_463, %sub3A_463 : vector<16x25x64xf32>
    %mul3A_468 = arith.mulf %sub3A_466, %sub3A_466 : vector<16x25x64xf32>
    %add3A_469 = arith.addf %mul3A_467, %mul3A_468 : vector<16x25x64xf32>
    %sqrt3A_470 = math.sqrt %add3A_469 : vector<16x25x64xf32>
    %broadcast_in_dim3A_471 = vector.shape_cast %sqrt3A_470 : vector<16x25x64xf32> to vector<16x25x1x64xf32>
    %broadcast_in_dim3A_472 = vector.shape_cast %sqrt3A_470 : vector<16x25x64xf32> to vector<16x1x25x64xf32>
    %broadcast_in_dim3A_473 = vector.shape_cast %add3A_446 : vector<16x25x64xi32> to vector<16x25x1x64xi32>
    %broadcast_in_dim3A_474 = vector.shape_cast %add3A_446 : vector<16x25x64xi32> to vector<16x1x25x64xi32>
    %lt3A_475 = vector.broadcast %broadcast_in_dim3A_472 : vector<16x1x25x64xf32> to vector<16x25x25x64xf32>
    %lt3A_476 = vector.broadcast %broadcast_in_dim3A_471 : vector<16x25x1x64xf32> to vector<16x25x25x64xf32>
    %lt3A_477 = arith.cmpf olt, %lt3A_475, %lt3A_476 : vector<16x25x25x64xf32>
    %eq3A_478 = vector.broadcast %broadcast_in_dim3A_472 : vector<16x1x25x64xf32> to vector<16x25x25x64xf32>
    %eq3A_479 = vector.broadcast %broadcast_in_dim3A_471 : vector<16x25x1x64xf32> to vector<16x25x25x64xf32>
    %eq3A_480 = arith.cmpf oeq, %eq3A_478, %eq3A_479 : vector<16x25x25x64xf32>
    %lt3A_481 = vector.broadcast %broadcast_in_dim3A_474 : vector<16x1x25x64xi32> to vector<16x25x25x64xi32>
    %lt3A_482 = vector.broadcast %broadcast_in_dim3A_473 : vector<16x25x1x64xi32> to vector<16x25x25x64xi32>
    %lt3A_483 = arith.cmpi slt, %lt3A_481, %lt3A_482 : vector<16x25x25x64xi32>
    %and3A_484 = arith.andi %eq3A_480, %lt3A_483 : vector<16x25x25x64xi1>
    %or3A_485 = arith.ori %lt3A_477, %and3A_484 : vector<16x25x25x64xi1>
    %convert_element_type3A_486 = arith.extui %or3A_485 : vector<16x25x25x64xi1> to vector<16x25x25x64xi32>
    %reduce_sum3A_487 = arith.constant dense<0> : vector<16x25x64xi32>
    %reduce_sum3A_488 = vector.multi_reduction <add>, %convert_element_type3A_486, %reduce_sum3A_487 [2] : vector<16x25x25x64xi32> to vector<16x25x64xi32>
    %lt3A_489 = arith.constant 9 : i32
    %lt3A_490 = vector.broadcast %lt3A_489 : i32 to vector<16x25x64xi32>
    %lt3A_491 = arith.cmpi slt, %reduce_sum3A_488, %lt3A_490 : vector<16x25x64xi32>
    %sub3A_492 = arith.constant 8.000000e+01 : f32
    %sub3A_493 = vector.broadcast %sub3A_492 : f32 to vector<16x25x64xf32>
    %sub3A_494 = arith.subf %mul3A_453, %sub3A_493 : vector<16x25x64xf32>
    %sub3A_495 = arith.constant 8.000000e+01 : f32
    %sub3A_496 = vector.broadcast %sub3A_495 : f32 to vector<16x25x64xf32>
    %sub3A_497 = arith.subf %mul3A_460, %sub3A_496 : vector<16x25x64xf32>
    %add3A_498 = arith.constant 8.000000e+01 : f32
    %add3A_499 = vector.broadcast %add3A_498 : f32 to vector<16x25x64xf32>
    %add3A_500 = arith.addf %mul3A_453, %add3A_499 : vector<16x25x64xf32>
    %add3A_501 = arith.constant 8.000000e+01 : f32
    %add3A_502 = vector.broadcast %add3A_501 : f32 to vector<16x25x64xf32>
    %add3A_503 = arith.addf %mul3A_460, %add3A_502 : vector<16x25x64xf32>
    %sub3A_504 = arith.subf %add3A_500, %sub3A_494 : vector<16x25x64xf32>
    %sub3A_505 = arith.subf %add3A_503, %sub3A_497 : vector<16x25x64xf32>
    %mul3A_506 = arith.mulf %sub3A_504, %sub3A_505 : vector<16x25x64xf32>
    %broadcast_in_dim3A_507 = vector.shape_cast %squeeze3A : vector<16x64xf32> to vector<16x1x64xf32>
    %max3A_508 = vector.broadcast %broadcast_in_dim3A_507 : vector<16x1x64xf32> to vector<16x25x64xf32>
    %max3A_509 = arith.maximumf %sub3A_494, %max3A_508 : vector<16x25x64xf32>
    %broadcast_in_dim3A_510 = vector.shape_cast %squeeze3A_4 : vector<16x64xf32> to vector<16x1x64xf32>
    %max3A_511 = vector.broadcast %broadcast_in_dim3A_510 : vector<16x1x64xf32> to vector<16x25x64xf32>
    %max3A_512 = arith.maximumf %sub3A_497, %max3A_511 : vector<16x25x64xf32>
    %broadcast_in_dim3A_513 = vector.shape_cast %squeeze3A_6 : vector<16x64xf32> to vector<16x1x64xf32>
    %min3A_514 = vector.broadcast %broadcast_in_dim3A_513 : vector<16x1x64xf32> to vector<16x25x64xf32>
    %min3A_515 = arith.minimumf %add3A_500, %min3A_514 : vector<16x25x64xf32>
    %broadcast_in_dim3A_516 = vector.shape_cast %squeeze3A_8 : vector<16x64xf32> to vector<16x1x64xf32>
    %min3A_517 = vector.broadcast %broadcast_in_dim3A_516 : vector<16x1x64xf32> to vector<16x25x64xf32>
    %min3A_518 = arith.minimumf %add3A_503, %min3A_517 : vector<16x25x64xf32>
    %sub3A_519 = arith.subf %min3A_515, %max3A_509 : vector<16x25x64xf32>
    %jit3A_520 = arith.constant 0 : i32
    %convert_element_type3A_521 = arith.sitofp %jit3A_520 : i32 to f32
    %max3A_522 = vector.broadcast %convert_element_type3A_521 : f32 to vector<16x25x64xf32>
    %max3A_523 = arith.maximumf %max3A_522, %sub3A_519 : vector<16x25x64xf32>
    %sub3A_524 = arith.subf %min3A_518, %max3A_512 : vector<16x25x64xf32>
    %jit3A_525 = arith.constant 0 : i32
    %convert_element_type3A_526 = arith.sitofp %jit3A_525 : i32 to f32
    %max3A_527 = vector.broadcast %convert_element_type3A_526 : f32 to vector<16x25x64xf32>
    %max3A_528 = arith.maximumf %max3A_527, %sub3A_524 : vector<16x25x64xf32>
    %mul3A_529 = arith.mulf %max3A_523, %max3A_528 : vector<16x25x64xf32>
    %broadcast_in_dim3A_530 = vector.shape_cast %mul3A : vector<16x64xf32> to vector<16x1x64xf32>
    %add3A_531 = vector.broadcast %broadcast_in_dim3A_530 : vector<16x1x64xf32> to vector<16x25x64xf32>
    %add3A_532 = arith.addf %mul3A_506, %add3A_531 : vector<16x25x64xf32>
    %sub3A_533 = arith.subf %add3A_532, %mul3A_529 : vector<16x25x64xf32>
    %add3A_534 = arith.constant 9.99999971E-10 : f32
    %add3A_535 = vector.broadcast %add3A_534 : f32 to vector<16x25x64xf32>
    %add3A_536 = arith.addf %sub3A_533, %add3A_535 : vector<16x25x64xf32>
    %div3A_537 = arith.divf %mul3A_529, %add3A_536 : vector<16x25x64xf32>
    %broadcast_in_dim3A_538 = vector.shape_cast %squeeze3A : vector<16x64xf32> to vector<16x1x64xf32>
    %ge3A_539 = vector.broadcast %broadcast_in_dim3A_538 : vector<16x1x64xf32> to vector<16x25x64xf32>
    %ge3A_540 = arith.cmpf oge, %mul3A_453, %ge3A_539 : vector<16x25x64xf32>
    %broadcast_in_dim3A_541 = vector.shape_cast %squeeze3A_6 : vector<16x64xf32> to vector<16x1x64xf32>
    %le3A_542 = vector.broadcast %broadcast_in_dim3A_541 : vector<16x1x64xf32> to vector<16x25x64xf32>
    %le3A_543 = arith.cmpf ole, %mul3A_453, %le3A_542 : vector<16x25x64xf32>
    %and3A_544 = arith.andi %ge3A_540, %le3A_543 : vector<16x25x64xi1>
    %broadcast_in_dim3A_545 = vector.shape_cast %squeeze3A_4 : vector<16x64xf32> to vector<16x1x64xf32>
    %ge3A_546 = vector.broadcast %broadcast_in_dim3A_545 : vector<16x1x64xf32> to vector<16x25x64xf32>
    %ge3A_547 = arith.cmpf oge, %mul3A_460, %ge3A_546 : vector<16x25x64xf32>
    %and3A_548 = arith.andi %and3A_544, %ge3A_547 : vector<16x25x64xi1>
    %broadcast_in_dim3A_549 = vector.shape_cast %squeeze3A_8 : vector<16x64xf32> to vector<16x1x64xf32>
    %le3A_550 = vector.broadcast %broadcast_in_dim3A_549 : vector<16x1x64xf32> to vector<16x25x64xf32>
    %le3A_551 = arith.cmpf ole, %mul3A_460, %le3A_550 : vector<16x25x64xf32>
    %and3A_552 = arith.andi %and3A_548, %le3A_551 : vector<16x25x64xi1>
    %broadcast_in_dim3A_553 = vector.shape_cast %reduce_sum3A_488 : vector<16x25x64xi32> to vector<16x25x1x64xi32>
    %eq3A_554 = vector.broadcast %broadcast_in_dim3A_553 : vector<16x25x1x64xi32> to vector<16x25x9x64xi32>
    %eq3A_555 = vector.broadcast %iota3A_66 : vector<1x1x9x1xi32> to vector<16x25x9x64xi32>
    %eq3A_556 = arith.cmpi eq, %eq3A_554, %eq3A_555 : vector<16x25x9x64xi32>
    %broadcast_in_dim3A_557 = vector.shape_cast %lt3A_491 : vector<16x25x64xi1> to vector<16x25x1x64xi1>
    %and3A_558 = vector.broadcast %broadcast_in_dim3A_557 : vector<16x25x1x64xi1> to vector<16x25x9x64xi1>
    %and3A_559 = arith.andi %eq3A_556, %and3A_558 : vector<16x25x9x64xi1>
    %convert_element_type3A_560 = arith.extui %and3A_559 : vector<16x25x9x64xi1> to vector<16x25x9x64xi32>
    %convert_element_type3A_561 = arith.sitofp %convert_element_type3A_560 : vector<16x25x9x64xi32> to vector<16x25x9x64xf32>
    %broadcast_in_dim3A_562 = vector.shape_cast %div3A_537 : vector<16x25x64xf32> to vector<16x25x1x64xf32>
    %mul3A_563 = vector.broadcast %broadcast_in_dim3A_562 : vector<16x25x1x64xf32> to vector<16x25x9x64xf32>
    %mul3A_564 = arith.mulf %mul3A_563, %convert_element_type3A_561 : vector<16x25x9x64xf32>
    %reduce_sum3A_565 = arith.constant dense<0.000000e+00> : vector<16x9x64xf32>
    %reduce_sum3A_566 = vector.multi_reduction <add>, %mul3A_564, %reduce_sum3A_565 [1] : vector<16x25x9x64xf32> to vector<16x9x64xf32>
    %broadcast_in_dim3A_567 = vector.shape_cast %add3A_446 : vector<16x25x64xi32> to vector<16x25x1x64xi32>
    %add3A_568 = arith.constant 8000 : i32
    %add3A_569 = vector.broadcast %add3A_568 : i32 to vector<16x25x1x64xi32>
    %add3A_570 = arith.addi %broadcast_in_dim3A_567, %add3A_569 : vector<16x25x1x64xi32>
    %convert_element_type3A_571 = arith.extui %and3A_559 : vector<16x25x9x64xi1> to vector<16x25x9x64xi32>
    %mul3A_572 = vector.broadcast %add3A_570 : vector<16x25x1x64xi32> to vector<16x25x9x64xi32>
    %mul3A_573 = arith.muli %mul3A_572, %convert_element_type3A_571 : vector<16x25x9x64xi32>
    %reduce_sum3A_574 = arith.constant dense<0> : vector<16x9x64xi32>
    %reduce_sum3A_575 = vector.multi_reduction <add>, %mul3A_573, %reduce_sum3A_574 [1] : vector<16x25x9x64xi32> to vector<16x9x64xi32>
    %broadcast_in_dim3A_576 = vector.shape_cast %and3A_552 : vector<16x25x64xi1> to vector<16x25x1x64xi1>
    %and3A_577 = vector.broadcast %broadcast_in_dim3A_576 : vector<16x25x1x64xi1> to vector<16x25x9x64xi1>
    %and3A_578 = arith.andi %and3A_577, %and3A_559 : vector<16x25x9x64xi1>
    %convert_element_type3A_579 = arith.extui %and3A_578 : vector<16x25x9x64xi1> to vector<16x25x9x64xi32>
    %reduce_sum3A_580 = arith.constant dense<0> : vector<16x9x64xi32>
    %reduce_sum3A_581 = vector.multi_reduction <add>, %convert_element_type3A_579, %reduce_sum3A_580 [1] : vector<16x25x9x64xi32> to vector<16x9x64xi32>
    %concatenate3A = tpu.concatenate %reduce_sum3A_216, %reduce_sum3A_391, %reduce_sum3A_566 in 1 : vector<16x9x64xf32>, vector<16x9x64xf32>, vector<16x9x64xf32> -> vector<16x27x64xf32>
    %concatenate3A_582 = tpu.concatenate %reduce_sum3A_225, %reduce_sum3A_400, %reduce_sum3A_575 in 1 : vector<16x9x64xi32>, vector<16x9x64xi32>, vector<16x9x64xi32> -> vector<16x27x64xi32>
    %concatenate3A_583 = tpu.concatenate %reduce_sum3A_231, %reduce_sum3A_406, %reduce_sum3A_581 in 1 : vector<16x9x64xi32>, vector<16x9x64xi32>, vector<16x9x64xi32> -> vector<16x27x64xi32>
    %gt3A_584 = arith.constant 0 : i32
    %gt3A_585 = vector.broadcast %gt3A_584 : i32 to vector<16x27x64xi32>
    %gt3A_586 = arith.cmpi sgt, %concatenate3A_583, %gt3A_585 : vector<16x27x64xi32>
    %reduce_sum3A_587 = arith.constant dense<0.000000e+00> : vector<16x64xf32>
    %reduce_sum3A_588 = vector.multi_reduction <add>, %concatenate3A, %reduce_sum3A_587 [1] : vector<16x27x64xf32> to vector<16x64xf32>
    %div3A_589 = arith.constant 2.700000e+01 : f32
    %div3A_590 = vector.broadcast %div3A_589 : f32 to vector<16x64xf32>
    %div3A_591 = arith.divf %reduce_sum3A_588, %div3A_590 : vector<16x64xf32>
    %mul3A_592 = arith.mulf %concatenate3A, %concatenate3A : vector<16x27x64xf32>
    %reduce_sum3A_593 = arith.constant dense<0.000000e+00> : vector<16x64xf32>
    %reduce_sum3A_594 = vector.multi_reduction <add>, %mul3A_592, %reduce_sum3A_593 [1] : vector<16x27x64xf32> to vector<16x64xf32>
    %div3A_595 = arith.constant 2.700000e+01 : f32
    %div3A_596 = vector.broadcast %div3A_595 : f32 to vector<16x64xf32>
    %div3A_597 = arith.divf %reduce_sum3A_594, %div3A_596 : vector<16x64xf32>
    %mul3A_598 = arith.mulf %div3A_591, %div3A_591 : vector<16x64xf32>
    %sub3A_599 = arith.subf %div3A_597, %mul3A_598 : vector<16x64xf32>
    %jit3A_600 = arith.constant 0.000000e+00 : f32
    %max3A_601 = vector.broadcast %jit3A_600 : f32 to vector<16x64xf32>
    %max3A_602 = arith.maximumf %max3A_601, %sub3A_599 : vector<16x64xf32>
    %sqrt3A_603 = math.sqrt %max3A_602 : vector<16x64xf32>
    %add3A_604 = arith.addf %div3A_591, %sqrt3A_603 : vector<16x64xf32>
    %broadcast_in_dim3A_605 = vector.shape_cast %add3A_604 : vector<16x64xf32> to vector<16x1x64xf32>
    %ge3A_606 = vector.broadcast %broadcast_in_dim3A_605 : vector<16x1x64xf32> to vector<16x27x64xf32>
    %ge3A_607 = arith.cmpf oge, %concatenate3A, %ge3A_606 : vector<16x27x64xf32>
    %and3A_608 = arith.andi %ge3A_607, %gt3A_586 : vector<16x27x64xi1>
    %broadcast_in_dim3A_609 = vector.shape_cast %gt3A_20 : vector<16x64xi1> to vector<16x1x64xi1>
    %and3A_610 = vector.broadcast %broadcast_in_dim3A_609 : vector<16x1x64xi1> to vector<16x27x64xi1>
    %and3A_611 = arith.andi %and3A_608, %and3A_610 : vector<16x27x64xi1>
    %jit3A_612 = arith.constant 0.000000e+00 : f32
    %broadcast_in_dim3A_613 = vector.broadcast %jit3A_612 : f32 to vector<16x27x64xf32>
    %select_n3A_614 = arith.select %and3A_611, %concatenate3A, %broadcast_in_dim3A_613 : vector<16x27x64xi1>, vector<16x27x64xf32>
    %broadcast_in_dim3A_615 = arith.constant 0.000000e+00 : f32
    %broadcast_in_dim3A_616 = vector.broadcast %broadcast_in_dim3A_615 : f32 to vector<16x5x64xf32>
    %broadcast_in_dim3A_617 = arith.constant 0 : i32
    %broadcast_in_dim3A_618 = vector.broadcast %broadcast_in_dim3A_617 : i32 to vector<16x5x64xi32>
    %concatenate3A_619 = tpu.concatenate %concatenate3A_582, %broadcast_in_dim3A_618 in 1 : vector<16x27x64xi32>, vector<16x5x64xi32> -> vector<16x32x64xi32>
    %concatenate3A_620 = tpu.concatenate %select_n3A_614, %broadcast_in_dim3A_616 in 1 : vector<16x27x64xf32>, vector<16x5x64xf32> -> vector<16x32x64xf32>
    %transpose3A = tpu.transpose %concatenate3A_619, [0, 2, 1] : vector<16x32x64xi32> -> vector<16x64x32xi32>
    %swap3A = arith.constant 0 : index
    %swap3A_621 = arith.constant 0 : index
    %swap3A_622 = arith.constant 0 : index
    %swap3A_623 = vector.load %arg2[%swap3A, %swap3A_621, %swap3A_622] : memref<16x64x32xi32, #tpu.memory_space<vmem>>, vector<16x64x32xi32>
    tpu.vector_store %arg2[%swap3A, %swap3A_621, %swap3A_622], %transpose3A {strides = array<i32>} : memref<16x64x32xi32, #tpu.memory_space<vmem>>, vector<16x64x32xi32>,
    %transpose3A_624 = tpu.transpose %concatenate3A_620, [0, 2, 1] : vector<16x32x64xf32> -> vector<16x64x32xf32>
    %swap3A_625 = arith.constant 0 : index
    %swap3A_626 = arith.constant 0 : index
    %swap3A_627 = arith.constant 0 : index
    %swap3A_628 = vector.load %arg3[%swap3A_625, %swap3A_626, %swap3A_627] : memref<16x64x32xf32, #tpu.memory_space<vmem>>, vector<16x64x32xf32>
    tpu.vector_store %arg3[%swap3A_625, %swap3A_626, %swap3A_627], %transpose3A_624 {strides = array<i32>} : memref<16x64x32xf32, #tpu.memory_space<vmem>>, vector<16x64x32xf32>,
    return
  }
}

module attributes {stable_mosaic.version = 14 : i64} {
  func.func @_phase_c_body(%arg0: i32, %arg1: memref<2x8x4224xf32, #tpu.memory_space<vmem>>, %arg2: memref<1x4x8400xf32, #tpu.memory_space<vmem>>, %arg3: memref<1x1x8400xi32, #tpu.memory_space<vmem>>, %arg4: memref<1x1x8400xi32, #tpu.memory_space<vmem>>, %arg5: memref<1x4x8400xf32, #tpu.memory_space<vmem>>, %arg6: memref<1x80x8400xf32, #tpu.memory_space<vmem>>) attributes {dimension_semantics = [#tpu.dimension_semantics<arbitrary>], iteration_bounds = array<i64: 16>, scalar_prefetch = 0 : i64, scratch_operands = 0 : i64, tpu.core_type = #tpu.core_type<tc>, window_params = [{transform_indices = @transform_0, window_bounds = array<i64: 2, 8, 4224>}, {transform_indices = @transform_1, window_bounds = array<i64: 1, 4, 8400>}, {transform_indices = @transform_2, window_bounds = array<i64: 1, 1, 8400>}, {transform_indices = @transform_3, window_bounds = array<i64: 1, 1, 8400>}, {transform_indices = @transform_4, window_bounds = array<i64: 1, 4, 8400>}, {transform_indices = @transform_5, window_bounds = array<i64: 1, 80, 8400>}]} {
    %get3A = arith.constant 0 : index
    %get3A_0 = arith.constant 0 : index
    %get3A_1 = arith.constant 0 : index
    %get3A_2 = vector.load %arg1[%get3A, %get3A_0, %get3A_1] : memref<2x8x4224xf32, #tpu.memory_space<vmem>>, vector<2x8x4224xf32>
    %slice3A = vector.extract_strided_slice %get3A_2 {offsets = [0, 0, 0], sizes = [2, 1, 4224], strides = [1, 1, 1]} : vector<2x8x4224xf32> to vector<2x1x4224xf32>
    %squeeze3A = vector.shape_cast %slice3A : vector<2x1x4224xf32> to vector<2x4224xf32>
    %slice3A_3 = vector.extract_strided_slice %squeeze3A {offsets = [0, 0], sizes = [1, 4224], strides = [1, 1]} : vector<2x4224xf32> to vector<1x4224xf32>
    %slice3A_4 = vector.extract_strided_slice %squeeze3A {offsets = [1, 0], sizes = [1, 4176], strides = [1, 1]} : vector<2x4224xf32> to vector<1x4176xf32>
    %concatenate3A = tpu.concatenate %slice3A_3, %slice3A_4 in 1 : vector<1x4224xf32>, vector<1x4176xf32> -> vector<1x8400xf32>
    %gt3A = arith.constant 0.000000e+00 : f32
    %gt3A_5 = vector.broadcast %gt3A : f32 to vector<1x8400xf32>
    %gt3A_6 = arith.cmpf ogt, %concatenate3A, %gt3A_5 : vector<1x8400xf32>
    %convert_element_type3A = arith.extui %gt3A_6 : vector<1x8400xi1> to vector<1x8400xi32>
    %convert_element_type3A_7 = arith.sitofp %convert_element_type3A : vector<1x8400xi32> to vector<1x8400xf32>
    %slice3A_8 = vector.extract_strided_slice %get3A_2 {offsets = [0, 1, 0], sizes = [2, 1, 4224], strides = [1, 1, 1]} : vector<2x8x4224xf32> to vector<2x1x4224xf32>
    %squeeze3A_9 = vector.shape_cast %slice3A_8 : vector<2x1x4224xf32> to vector<2x4224xf32>
    %slice3A_10 = vector.extract_strided_slice %squeeze3A_9 {offsets = [0, 0], sizes = [1, 4224], strides = [1, 1]} : vector<2x4224xf32> to vector<1x4224xf32>
    %slice3A_11 = vector.extract_strided_slice %squeeze3A_9 {offsets = [1, 0], sizes = [1, 4176], strides = [1, 1]} : vector<2x4224xf32> to vector<1x4176xf32>
    %concatenate3A_12 = tpu.concatenate %slice3A_10, %slice3A_11 in 1 : vector<1x4224xf32>, vector<1x4176xf32> -> vector<1x8400xf32>
    %slice3A_13 = vector.extract_strided_slice %get3A_2 {offsets = [0, 2, 0], sizes = [2, 1, 4224], strides = [1, 1, 1]} : vector<2x8x4224xf32> to vector<2x1x4224xf32>
    %squeeze3A_14 = vector.shape_cast %slice3A_13 : vector<2x1x4224xf32> to vector<2x4224xf32>
    %slice3A_15 = vector.extract_strided_slice %squeeze3A_14 {offsets = [0, 0], sizes = [1, 4224], strides = [1, 1]} : vector<2x4224xf32> to vector<1x4224xf32>
    %slice3A_16 = vector.extract_strided_slice %squeeze3A_14 {offsets = [1, 0], sizes = [1, 4176], strides = [1, 1]} : vector<2x4224xf32> to vector<1x4176xf32>
    %concatenate3A_17 = tpu.concatenate %slice3A_15, %slice3A_16 in 1 : vector<1x4224xf32>, vector<1x4176xf32> -> vector<1x8400xf32>
    %slice3A_18 = vector.extract_strided_slice %get3A_2 {offsets = [0, 3, 0], sizes = [2, 1, 4224], strides = [1, 1, 1]} : vector<2x8x4224xf32> to vector<2x1x4224xf32>
    %squeeze3A_19 = vector.shape_cast %slice3A_18 : vector<2x1x4224xf32> to vector<2x4224xf32>
    %slice3A_20 = vector.extract_strided_slice %squeeze3A_19 {offsets = [0, 0], sizes = [1, 4224], strides = [1, 1]} : vector<2x4224xf32> to vector<1x4224xf32>
    %slice3A_21 = vector.extract_strided_slice %squeeze3A_19 {offsets = [1, 0], sizes = [1, 4176], strides = [1, 1]} : vector<2x4224xf32> to vector<1x4176xf32>
    %concatenate3A_22 = tpu.concatenate %slice3A_20, %slice3A_21 in 1 : vector<1x4224xf32>, vector<1x4176xf32> -> vector<1x8400xf32>
    %slice3A_23 = vector.extract_strided_slice %get3A_2 {offsets = [0, 4, 0], sizes = [2, 1, 4224], strides = [1, 1, 1]} : vector<2x8x4224xf32> to vector<2x1x4224xf32>
    %squeeze3A_24 = vector.shape_cast %slice3A_23 : vector<2x1x4224xf32> to vector<2x4224xf32>
    %slice3A_25 = vector.extract_strided_slice %squeeze3A_24 {offsets = [0, 0], sizes = [1, 4224], strides = [1, 1]} : vector<2x4224xf32> to vector<1x4224xf32>
    %slice3A_26 = vector.extract_strided_slice %squeeze3A_24 {offsets = [1, 0], sizes = [1, 4176], strides = [1, 1]} : vector<2x4224xf32> to vector<1x4176xf32>
    %concatenate3A_27 = tpu.concatenate %slice3A_25, %slice3A_26 in 1 : vector<1x4224xf32>, vector<1x4176xf32> -> vector<1x8400xf32>
    %slice3A_28 = vector.extract_strided_slice %get3A_2 {offsets = [0, 5, 0], sizes = [2, 1, 4224], strides = [1, 1, 1]} : vector<2x8x4224xf32> to vector<2x1x4224xf32>
    %squeeze3A_29 = vector.shape_cast %slice3A_28 : vector<2x1x4224xf32> to vector<2x4224xf32>
    %slice3A_30 = vector.extract_strided_slice %squeeze3A_29 {offsets = [0, 0], sizes = [1, 4224], strides = [1, 1]} : vector<2x4224xf32> to vector<1x4224xf32>
    %slice3A_31 = vector.extract_strided_slice %squeeze3A_29 {offsets = [1, 0], sizes = [1, 4176], strides = [1, 1]} : vector<2x4224xf32> to vector<1x4176xf32>
    %concatenate3A_32 = tpu.concatenate %slice3A_30, %slice3A_31 in 1 : vector<1x4224xf32>, vector<1x4176xf32> -> vector<1x8400xf32>
    %get3A_33 = arith.constant 0 : index
    %get3A_34 = arith.constant 0 : index
    %get3A_35 = arith.constant 0 : index
    %get3A_36 = vector.load %arg2[%get3A_33, %get3A_34, %get3A_35] : memref<1x4x8400xf32, #tpu.memory_space<vmem>>, vector<1x4x8400xf32>
    %get3A_37 = vector.shape_cast %get3A_36 : vector<1x4x8400xf32> to vector<4x8400xf32>
    %slice3A_38 = vector.extract_strided_slice %get3A_37 {offsets = [0, 0], sizes = [1, 8400], strides = [1, 1]} : vector<4x8400xf32> to vector<1x8400xf32>
    %slice3A_39 = vector.extract_strided_slice %get3A_37 {offsets = [1, 0], sizes = [1, 8400], strides = [1, 1]} : vector<4x8400xf32> to vector<1x8400xf32>
    %slice3A_40 = vector.extract_strided_slice %get3A_37 {offsets = [2, 0], sizes = [1, 8400], strides = [1, 1]} : vector<4x8400xf32> to vector<1x8400xf32>
    %slice3A_41 = vector.extract_strided_slice %get3A_37 {offsets = [3, 0], sizes = [1, 8400], strides = [1, 1]} : vector<4x8400xf32> to vector<1x8400xf32>
    %sub3A = arith.subf %slice3A_40, %slice3A_38 : vector<1x8400xf32>
    %sub3A_42 = arith.subf %slice3A_41, %slice3A_39 : vector<1x8400xf32>
    %mul3A = arith.mulf %sub3A, %sub3A_42 : vector<1x8400xf32>
    %sub3A_43 = arith.subf %concatenate3A_22, %concatenate3A_12 : vector<1x8400xf32>
    %sub3A_44 = arith.subf %concatenate3A_27, %concatenate3A_17 : vector<1x8400xf32>
    %mul3A_45 = arith.mulf %sub3A_43, %sub3A_44 : vector<1x8400xf32>
    %max3A = arith.maximumf %slice3A_38, %concatenate3A_12 : vector<1x8400xf32>
    %max3A_46 = arith.maximumf %slice3A_39, %concatenate3A_17 : vector<1x8400xf32>
    %min3A = arith.minimumf %slice3A_40, %concatenate3A_22 : vector<1x8400xf32>
    %min3A_47 = arith.minimumf %slice3A_41, %concatenate3A_27 : vector<1x8400xf32>
    %sub3A_48 = arith.subf %min3A, %max3A : vector<1x8400xf32>
    %jit3A = arith.constant 0 : i32
    %convert_element_type3A_49 = arith.sitofp %jit3A : i32 to f32
    %max3A_50 = vector.broadcast %convert_element_type3A_49 : f32 to vector<1x8400xf32>
    %max3A_51 = arith.maximumf %max3A_50, %sub3A_48 : vector<1x8400xf32>
    %sub3A_52 = arith.subf %min3A_47, %max3A_46 : vector<1x8400xf32>
    %jit3A_53 = arith.constant 0 : i32
    %convert_element_type3A_54 = arith.sitofp %jit3A_53 : i32 to f32
    %max3A_55 = vector.broadcast %convert_element_type3A_54 : f32 to vector<1x8400xf32>
    %max3A_56 = arith.maximumf %max3A_55, %sub3A_52 : vector<1x8400xf32>
    %mul3A_57 = arith.mulf %max3A_51, %max3A_56 : vector<1x8400xf32>
    %add3A = arith.addf %mul3A, %mul3A_45 : vector<1x8400xf32>
    %sub3A_58 = arith.subf %add3A, %mul3A_57 : vector<1x8400xf32>
    %add3A_59 = arith.constant 9.99999971E-10 : f32
    %add3A_60 = vector.broadcast %add3A_59 : f32 to vector<1x8400xf32>
    %add3A_61 = arith.addf %sub3A_58, %add3A_60 : vector<1x8400xf32>
    %div3A = arith.divf %mul3A_57, %add3A_61 : vector<1x8400xf32>
    %mul3A_62 = arith.mulf %concatenate3A, %convert_element_type3A_7 : vector<1x8400xf32>
    %mul3A_63 = arith.mulf %div3A, %convert_element_type3A_7 : vector<1x8400xf32>
    %mul3A_64 = arith.mulf %mul3A_62, %mul3A_63 : vector<1x8400xf32>
    %mul3A_65 = arith.mulf %concatenate3A_32, %convert_element_type3A_7 : vector<1x8400xf32>
    %convert_element_type3A_66 = arith.fptosi %mul3A_65 : vector<1x8400xf32> to vector<1x8400xi32>
    %swap3A = arith.constant 0 : index
    %swap3A_67 = arith.constant 0 : index
    %swap3A_68 = arith.constant 0 : index
    %swap3A_69 = vector.load %arg3[%swap3A, %swap3A_67, %swap3A_68] : memref<1x1x8400xi32, #tpu.memory_space<vmem>>, vector<1x1x8400xi32>
    %swap3A_70 = vector.shape_cast %swap3A_69 : vector<1x1x8400xi32> to vector<1x8400xi32>
    %swap3A_71 = vector.shape_cast %convert_element_type3A_66 : vector<1x8400xi32> to vector<1x1x8400xi32>
    tpu.vector_store %arg3[%swap3A, %swap3A_67, %swap3A_68], %swap3A_71 {strides = array<i32>} : memref<1x1x8400xi32, #tpu.memory_space<vmem>>, vector<1x1x8400xi32>,
    %gt3A_72 = arith.constant 0.000000e+00 : f32
    %gt3A_73 = vector.broadcast %gt3A_72 : f32 to vector<1x8400xf32>
    %gt3A_74 = arith.cmpf ogt, %concatenate3A, %gt3A_73 : vector<1x8400xf32>
    %convert_element_type3A_75 = arith.extui %gt3A_74 : vector<1x8400xi1> to vector<1x8400xi32>
    %swap3A_76 = arith.constant 0 : index
    %swap3A_77 = arith.constant 0 : index
    %swap3A_78 = arith.constant 0 : index
    %swap3A_79 = vector.load %arg4[%swap3A_76, %swap3A_77, %swap3A_78] : memref<1x1x8400xi32, #tpu.memory_space<vmem>>, vector<1x1x8400xi32>
    %swap3A_80 = vector.shape_cast %swap3A_79 : vector<1x1x8400xi32> to vector<1x8400xi32>
    %swap3A_81 = vector.shape_cast %convert_element_type3A_75 : vector<1x8400xi32> to vector<1x1x8400xi32>
    tpu.vector_store %arg4[%swap3A_76, %swap3A_77, %swap3A_78], %swap3A_81 {strides = array<i32>} : memref<1x1x8400xi32, #tpu.memory_space<vmem>>, vector<1x1x8400xi32>,
    %mul3A_82 = arith.mulf %concatenate3A_12, %convert_element_type3A_7 : vector<1x8400xf32>
    %mul3A_83 = arith.mulf %concatenate3A_17, %convert_element_type3A_7 : vector<1x8400xf32>
    %mul3A_84 = arith.mulf %concatenate3A_22, %convert_element_type3A_7 : vector<1x8400xf32>
    %mul3A_85 = arith.mulf %concatenate3A_27, %convert_element_type3A_7 : vector<1x8400xf32>
    %concatenate3A_86 = tpu.concatenate %mul3A_82, %mul3A_83, %mul3A_84, %mul3A_85 in 0 : vector<1x8400xf32>, vector<1x8400xf32>, vector<1x8400xf32>, vector<1x8400xf32> -> vector<4x8400xf32>
    %swap3A_87 = arith.constant 0 : index
    %swap3A_88 = arith.constant 0 : index
    %swap3A_89 = arith.constant 0 : index
    %swap3A_90 = vector.load %arg5[%swap3A_87, %swap3A_88, %swap3A_89] : memref<1x4x8400xf32, #tpu.memory_space<vmem>>, vector<1x4x8400xf32>
    %swap3A_91 = vector.shape_cast %swap3A_90 : vector<1x4x8400xf32> to vector<4x8400xf32>
    %swap3A_92 = vector.shape_cast %concatenate3A_86 : vector<4x8400xf32> to vector<1x4x8400xf32>
    tpu.vector_store %arg5[%swap3A_87, %swap3A_88, %swap3A_89], %swap3A_92 {strides = array<i32>} : memref<1x4x8400xf32, #tpu.memory_space<vmem>>, vector<1x4x8400xf32>,
    %iota3A = tpu.iota {dimensions = array<i32: 0>} : vector<80x1xi32>
    %convert_element_type3A_93 = arith.fptosi %mul3A_65 : vector<1x8400xf32> to vector<1x8400xi32>
    %eq3A = vector.broadcast %convert_element_type3A_93 : vector<1x8400xi32> to vector<80x8400xi32>
    %eq3A_94 = vector.broadcast %iota3A : vector<80x1xi32> to vector<80x8400xi32>
    %eq3A_95 = arith.cmpi eq, %eq3A, %eq3A_94 : vector<80x8400xi32>
    %convert_element_type3A_96 = arith.extui %eq3A_95 : vector<80x8400xi1> to vector<80x8400xi32>
    %convert_element_type3A_97 = arith.sitofp %convert_element_type3A_96 : vector<80x8400xi32> to vector<80x8400xf32>
    %mul3A_98 = vector.broadcast %mul3A_64 : vector<1x8400xf32> to vector<80x8400xf32>
    %mul3A_99 = arith.mulf %convert_element_type3A_97, %mul3A_98 : vector<80x8400xf32>
    %swap3A_100 = arith.constant 0 : index
    %swap3A_101 = arith.constant 0 : index
    %swap3A_102 = arith.constant 0 : index
    %swap3A_103 = vector.load %arg6[%swap3A_100, %swap3A_101, %swap3A_102] : memref<1x80x8400xf32, #tpu.memory_space<vmem>>, vector<1x80x8400xf32>
    %swap3A_104 = vector.shape_cast %swap3A_103 : vector<1x80x8400xf32> to vector<80x8400xf32>
    %swap3A_105 = vector.shape_cast %mul3A_99 : vector<80x8400xf32> to vector<1x80x8400xf32>
    tpu.vector_store %arg6[%swap3A_100, %swap3A_101, %swap3A_102], %swap3A_105 {strides = array<i32>} : memref<1x80x8400xf32, #tpu.memory_space<vmem>>, vector<1x80x8400xf32>,
    return
  }
  func.func @transform_0(%arg0: i32) -> (i32, i32, i32) {
    %c0_i32 = arith.constant 0 : i32
    %c0_i32_0 = arith.constant 0 : i32
    %c0_i32_1 = arith.constant 0 : i32
    return %arg0, %c0_i32, %c0_i32_0 : i32, i32, i32
  }
  func.func @transform_1(%arg0: i32) -> (i32, i32, i32) {
    %c0_i32 = arith.constant 0 : i32
    %c0_i32_0 = arith.constant 0 : i32
    %c0_i32_1 = arith.constant 0 : i32
    return %arg0, %c0_i32, %c0_i32_0 : i32, i32, i32
  }
  func.func @transform_2(%arg0: i32) -> (i32, i32, i32) {
    %c0_i32 = arith.constant 0 : i32
    %c0_i32_0 = arith.constant 0 : i32
    %c0_i32_1 = arith.constant 0 : i32
    return %arg0, %c0_i32, %c0_i32_0 : i32, i32, i32
  }
  func.func @transform_3(%arg0: i32) -> (i32, i32, i32) {
    %c0_i32 = arith.constant 0 : i32
    %c0_i32_0 = arith.constant 0 : i32
    %c0_i32_1 = arith.constant 0 : i32
    return %arg0, %c0_i32, %c0_i32_0 : i32, i32, i32
  }
  func.func @transform_4(%arg0: i32) -> (i32, i32, i32) {
    %c0_i32 = arith.constant 0 : i32
    %c0_i32_0 = arith.constant 0 : i32
    %c0_i32_1 = arith.constant 0 : i32
    return %arg0, %c0_i32, %c0_i32_0 : i32, i32, i32
  }
  func.func @transform_5(%arg0: i32) -> (i32, i32, i32) {
    %c0_i32 = arith.constant 0 : i32
    %c0_i32_0 = arith.constant 0 : i32
    %c0_i32_1 = arith.constant 0 : i32
    return %arg0, %c0_i32, %c0_i32_0 : i32, i32, i32
  }
}

</mosaic_0001>

<sc_bundles>
// kernel: kernel.5.cloned.1.call-start
scs
__scs_entry_jumppad:
0x0: {  	(pc) =	sbr.rel $0x88, $3  }
0x1: {  	(tag) =	ssettag $0x0;
	lr =	simm.s32 $0x1  }
0x2: {  	[smem:$0x3F9D] =	sst lr;
	_ =	strace $0xD0000000  }
0x3: {  	_ = 	snop  }
0x4: {  	_ = 	snop  }
0x5: {  	_ = 	snop  }
0x6: {  	_ = 	snop  }
0x7: {  	_ = 	snop  }
__scs_overlays_trampoline_lowered:
0x8: {  	[smem:$0x3FAC] =	sst s0  }
0x9: {  	[smem:$0x3FAD] =	sst s1  }
0xa: {  	[smem:$0x3FAE] =	sst s2  }
0xb: {  	[smem:$0x3FAF] =	sst s3  }
0xc: {  	[smem:$0x3FB0] =	sst s4  }
0xd: {  	[smem:$0x3FB1] =	sst s5  }
0xe: {  	[smem:$0x3FB2] =	sst s6  }
0xf: {  	[smem:$0x3FB3] =	sst s7  }
0x10: {  	[smem:$0x3FB4] =	sst s8  }
0x11: {  	[smem:$0x3FB5] =	sst s9;
	s0 =	simm.s32 @!p0 $0x0  }
0x12: {  	s1 =	sld [smem:$0x3F9B];
	s0 =	simm.s32 @p0 $0x1  }
0x13: {  	[smem:$0x3FB6] =	sst s0;
	s0 =	simm.s32 @!p1 $0x0  }
0x14: {  	s2 =	sld [smem:$0x3F9A];
	s0 =	simm.s32 @p1 $0x1  }
0x15: {  	[smem:$0x3FB7] =	sst s0;
	s0 =	simm.s32 @!p2 $0x0  }
0x16: {  	s3 =	sld [smem:$0x3FDB];
	s0 =	simm.s32 @p2 $0x1  }
0x17: {  	s4 =	simm.s32 $0x1BF5;
	[smem:$0x3FB9] =	sst s0  }
0x18: {  	s0 =	sld [smem:$0x3F9C];
	_ =	swait.ge [sflag:s4], $0x0  }
0x19: {  	s7 =	sld [smem:$0x3F9D]  }
0x1a: {  	s8 =	sadd.s32 $0xFFFFE003, lr  }
0x1b: {  	s9 =	sadd.s32 $0xFFFFFEF7, lr;
	s5 =	simm.s32 $0xFFFFFFFF;
	p2 =	slt.u32 s8, $0xFFFFF086  }
0x1c: {  	p1 =	slt.u32 s9, $0xF7A;
	s5 =	simm.s32 @!p2 $0x0  }
0x1d: {  	s5 =	simm.s32 @p1 $0x1;
	p0 =	seq.s32 s7, s2  }
0x1e: {  	s7 =	smul.u32 @!p0 $0xF7A, s2;
	p2 =	seq.s32 @!p0 s5, $0x0  }
0x1f: {  	s9 =	smul.u32 $0xF7A, s1;
	s8 =	simm.s32 @!p0 $0x1BF5;
	p2 =	por !p2, p0  }
0x20: {  	[sflag:s8] =	ssyncset.s32 @!p0 $0xFFFFF086;
	s6 =	sadd.s32 @!p0 s3, s7;
	s7 =	simm.s32 @!p0 $0x108  }
0x21: {  	s3 =	sadd.s32 s3, s9;
	s6 =	sadd.s32 @!p0 $0x88, s6;
	s7 =	simm.s32 @p2 $0x1082  }
0x22: {  	[simem:s7], [sflag:s8] =	dma.local @!p0 [hbm:s6], $0xF7A  }
0x23: {  	s9 =	sor.u32 $0xD0000000, s2;
	s6 =	simm.s32 $0x108;
	_ =	swait.ge @!p0 [sflag:s8], $0x0  }
0x24: {  	s3 =	sadd.s32 $0x88, s3;
	s6 =	simm.s32 @!p1 $0x1082;
	[sflag:s4] =	ssyncset.s32 $0xFFFFF086  }
0x25: {  	[simem:s6], [sflag:s4] =	dma.local [hbm:s3], $0xF7A  }
0x26: {  	[smem:$0x3F9D] =	sst s1;
	(tag) =	ssettag s2;
	_ =	strace s9  }
0x27: {  	s1 =	sld [smem:$0x3FAD]  }
0x28: {  	s2 =	sld [smem:$0x3FAE]  }
0x29: {  	s4 =	sld [smem:$0x3FB0]  }
0x2a: {  	p0 =	seq.s32 s5, $0x0;
	s5 =	sld [smem:$0x3FB1]  }
0x2b: {  	s6 =	sld [smem:$0x3FB2]  }
0x2c: {  	s7 =	sld [smem:$0x3FB3]  }
0x2d: {  	s3 =	simm.s32 $0x108;
	s8 =	sld [smem:$0x3FB4]  }
0x2e: {  	s3 =	simm.s32 @!p0 $0x1082;
	s9 =	sld [smem:$0x3FB5]  }
0x2f: {  	lr =	sadd.s32 s0, s3;
	s0 =	sld [smem:$0x3FAC]  }
0x30: {  	s3 =	sld [smem:$0x3FAF]  }
0x31: {  	[smem:$0x3FB8] =	sst s10  }
0x32: {  	s10 =	sld [smem:$0x3FB6];
	_ =	sdelay $0x3  }
0x33: {  	p0 =	seq.s32 s10, $0x1;
	s10 =	sld [smem:$0x3FB8];
	_ =	sdelay $0x3  }
0x34: {  	[smem:$0x3FB8] =	sst s10  }
0x35: {  	s10 =	sld [smem:$0x3FB7];
	_ =	sdelay $0x3  }
0x36: {  	p1 =	seq.s32 s10, $0x1;
	s10 =	sld [smem:$0x3FB8];
	_ =	sdelay $0x3  }
0x37: {  	[smem:$0x3FB8] =	sst s10  }
0x38: {  	s10 =	sld [smem:$0x3FB9]  }
0x39: {  	_ = 	snop;
	(pc) =	sbr.ind lr, $3  }
0x3a: {  	_ = 	snop  }
0x3b: {  	_ = 	snop  }
0x3c: {  	p2 =	seq.s32 s10, $0x1;
	s10 =	sld [smem:$0x3FB8]  }
0x3d: {  	_ =	shalt  }
0x3e: {  	_ =	shalt  }
0x3f: {  	_ =	shalt  }
0x40: {  	_ =	shalt  }
0x41: {  	_ =	shalt  }
0x42: {  	_ =	shalt  }
0x43: {  	_ =	shalt  }
0x44: {  	_ =	shalt  }
0x45: {  	_ =	shalt  }
0x46: {  	_ =	shalt  }
0x47: {  	_ =	shalt  }
0x48: {  	_ =	shalt  }
0x49: {  	_ =	shalt  }
0x4a: {  	_ =	shalt  }
0x4b: {  	_ =	shalt  }
0x4c: {  	_ =	shalt  }
0x4d: {  	_ =	shalt  }
0x4e: {  	_ =	shalt  }
0x4f: {  	_ =	shalt  }
0x50: {  	_ =	shalt  }
0x51: {  	_ =	shalt  }
0x52: {  	_ =	shalt  }
0x53: {  	_ =	shalt  }
0x54: {  	_ =	shalt  }
0x55: {  	_ =	shalt  }
0x56: {  	_ =	shalt  }
0x57: {  	_ =	shalt  }
0x58: {  	_ =	shalt  }
0x59: {  	_ =	shalt  }
0x5a: {  	_ =	shalt  }
0x5b: {  	_ =	shalt  }
0x5c: {  	_ =	shalt  }
0x5d: {  	_ =	shalt  }
0x5e: {  	_ =	shalt  }
0x5f: {  	_ =	shalt  }
0x60: {  	_ =	shalt  }
0x61: {  	_ =	shalt  }
0x62: {  	_ =	shalt  }
0x63: {  	_ =	shalt  }
0x64: {  	_ =	shalt  }
0x65: {  	_ =	shalt  }
0x66: {  	_ =	shalt  }
0x67: {  	_ =	shalt  }
0x68: {  	_ =	shalt  }
0x69: {  	_ =	shalt  }
0x6a: {  	_ =	shalt  }
0x6b: {  	_ =	shalt  }
0x6c: {  	_ =	shalt  }
0x6d: {  	_ =	shalt  }
0x6e: {  	_ =	shalt  }
0x6f: {  	_ =	shalt  }
0x70: {  	_ =	shalt  }
0x71: {  	_ =	shalt  }
0x72: {  	_ =	shalt  }
0x73: {  	_ =	shalt  }
0x74: {  	_ =	shalt  }
0x75: {  	_ =	shalt  }
0x76: {  	_ =	shalt  }
0x77: {  	_ =	shalt  }
0x78: {  	_ =	shalt  }
0x79: {  	_ =	shalt  }
0x7a: {  	_ =	shalt  }
0x7b: {  	_ =	shalt  }
0x7c: {  	_ =	shalt  }
0x7d: {  	_ =	shalt  }
0x7e: {  	_ =	shalt  }
0x7f: {  	_ =	shalt  }
0x80: {  	_ =	shalt  }
0x81: {  	_ =	shalt  }
0x82: {  	_ =	shalt  }
0x83: {  	_ =	shalt  }
0x84: {  	_ =	shalt  }
0x85: {  	_ =	shalt  }
0x86: {  	_ =	shalt  }
0x87: {  	_ =	shalt  }
.Lfunc_end0:
.L_simem_size_0:
called_computation_lowered:
.L_overlay_start_0:
0x88: {  	s2 =	sld [smem:$0x3FD9]  }
0x89: {  	s3 =	sld [smem:$0x3FFE];
	_ =	sdelay $0x1  }
0x8a: {  	s1 =	srdreg.scid  }
0x8b: {  	s0 =	sand.u32 $0x1, s1  }
0x8c: {  	s15 =	sshll.u32 s0, $0xA;
	s2 =	sadd.s32 s3, s2  }
0x8d: {  	s2 =	sadd.s32 s2, s15  }
0x8e: {  	[smem:$0x3FC4] =	sst s2  }
0x8f: {  	_ = 	snop  }
0x90: {  	s2 =	sld [smem:$0x3FD0];
	_ =	sdelay $0x2  }
0x91: {  	s16 =	simm.s32 $0xA;
	s4 =	simm.s32 $0x10  }
0x92: {  	[smem:s4], [sflag:s16] =	dma.local [hbm:s2], $0x1  }
0x93: {  	_ =	swait.eq [sflag:s16], $0x1  }
0x94: {  	s17 =	sld [smem:$0x10]  }
0x95: {  	s18 =	sld [smem:$0x11];
	[sflag:s16] =	ssyncset.done $0x0  }
0x96: {  	s5 =	sld [smem:$0x12];
	[sflag:s16] =	ssyncadd.s32 $0xFFFFFFFF  }
0x97: {  	s19 =	sld [smem:$0x13];
	(tm) =	ssettm $0x1  }
0x98: {  	s6 =	sld [smem:$0x3FFB];
	_ =	sdelay $0x3  }
0x99: {  	_ =	strace s6  }
0x9a: {  	s6 =	sld [smem:$0x3FFC];
	_ =	sdelay $0x3  }
0x9b: {  	_ =	strace s6  }
0x9c: {  	s6 =	sld [smem:$0x3FFD];
	_ =	sdelay $0x3  }
0x9d: {  	_ =	strace s6  }
0x9e: {  	_ =	strace $0x8FFFFFFF  }
0x9f: {  	s20 =	sld [smem:$0x3FDB];
	_ =	sdelay $0x1  }
0xa0: {  	s7 =	simm.s32 $_scs_section_size  }
0xa1: {  	s8 =	simm.s32 $_size__tile_overlayer_lowered;
	s9 =	simm.s32 $_tile_overlayer_lowered  }
0xa2: {  	s23 =	simm.s32 $0x1BFF;
	s22 =	sshll.u32 s9, $0x1;
	s6 =	sadd.s32 s7, s20  }
0xa3: {  	s10 =	simm.s32 $0x0;
	s21 =	sshll.u32 s8, $0x1;
	s8 =	sadd.s32 s22, s6  }
0xa4: {  	[timem:s10], [sflag:s23] =	dma.local [hbm:s8], s21  }
0xa5: {  	_ =	swait.ge [sflag:s23], s21  }
0xa6: {  	s7 =	ssub.s32 $0x0, s21;
	[sflag:s23] =	ssyncset.done $0x0  }
0xa7: {  	[sflag:s23] =	ssyncadd.s32 s7;
	_ =	sdelay $0x1  }
0xa8: {  	s24 =	simm.s32 $0x1B8B  }
0xa9: {  	_ =	swait.ge [sflag:s24], $0x1  }
0xaa: {  	[sflag:s24] =	ssyncset.done $0x0  }
0xab: {  	s25 =	simm.s32 $0x1B8E;
	[sflag:s24] =	ssyncadd.s32 $0xFFFFFFFF  }
0xac: {  	s26 =	simm.s32 $execute0_lowered;
	[smem:$0x3FD2] =	sst s25  }
0xad: {  	s7 =	sshll.u32 s26, $0x1;
	_ =	strace $0x80000046;
	[dreg:$0x1] =	wrdreg $0xFFFFFFFF  }
0xae: {  	s28 =	simm.s32 $_size_execute0_lowered;
	s6 =	sadd.s32 s6, s7;
	[dreg:$0x0] =	wrdreg $0x0  }
0xaf: {  	s7 =	sshll.u32 s28, $0x1;
	[dreg:$0x2] =	wrdreg s6  }
0xb0: {  	[dreg:$0x3] =	wrdreg s7  }
0xb1: {  	[dreg:$0x4] =	wrdreg $0xC0  }
0xb2: {  	_ =	task [dreg:s10], $0x5FFFF  }
0xb3: {  	[dreg:$0x1] =	wrdreg $0xFFFFFFFF  }
0xb4: {  	[dreg:$0x0] =	wrdreg $0x60  }
0xb5: {  	[dreg:$0x2] =	wrdreg s19  }
0xb6: {  	[dreg:$0x3] =	wrdreg s17  }
0xb7: {  	[dreg:$0x4] =	wrdreg s18  }
0xb8: {  	[dreg:$0x5] =	wrdreg s5  }
0xb9: {  	[dreg:$0x6] =	wrdreg $0x9  }
0xba: {  	_ =	task.clear_ibuf [dreg:s10], $0x7FFFF;
	_ =	strace $0x90000046  }
0xbb: {  	s29 =	simm.s32 $0x9;
	_ =	strace $0x80000048  }
0xbc: {  	_ =	swait.ge [sflag:s29], $0x1  }
0xbd: {  	[sflag:s29] =	ssyncadd.s32 $0xFFFFFFFF  }
0xbe: {  	_ =	strace $0x90000048  }
0xbf: {  	_ =	sfence  }
0xc0: {  	s30 =	sld [smem:$0x0];
	_ =	sdelay $0x2  }
0xc1: {  	s31 =	sshll.u32 s1, $0xD;
	s1 =	sshrl.u32 s1, $0x2  }
0xc2: {  	s3 =	sand.u32 $0x4000, s31;
	s1 =	sadd.s32 s1, s30  }
0xc3: {  	s0 =	sor.u32 s3, s0;
	s1 =	sshll.u32 s1, $0x11  }
0xc4: {  	s0 =	sor.u32 s1, s0  }
0xc5: {  	s0 =	sadd.s32 $0x8F2B, s0  }
0xc6: {  	[sflag:s0] =	ssyncadd.remote.s32 $0x1  }
0xc7: {  	_ =	sfence.sel $0xFFFF  }
0xc8: {  	[dreg:$0x0] =	wrdreg $0xFFFFFFFF;
	(pc) =	sbr.abs _section_cstart, $3  }
0xc9: {  	[dreg:$0x1] =	wrdreg $0xFFFFFFFF  }
0xca: {  	_ =	task.clear_ibuf [dreg:s10], $0x2FFFF;
	_ =	strace $0x9FFFFFFF  }
0xcb: {  	(tm) =	ssettm $0x7FFFFFFF  }
tec
execute0_lowered:
.L_overlay_start_1:
0x0: {  	(tag) =	ssettag $0x1  }
0x1: {  	s3 =	rddreg [dreg:$0x0]  }
0x2: {  	s4 =	rddreg [dreg:$0x1]  }
0x3: {  	s5 =	rddreg [dreg:$0x2]  }
0x4: {  	s6 =	rddreg [dreg:$0x3]  }
0x5: {  	s0 =	rddreg [dreg:$0x4];
	s2 =	simm.s32 $0x0  }
0x6: {  	s1 =	stileid.u32;
	s7 =	srdreg.scid;
	s14 =	simm.s32 $0x9800  }
0x7: {  	s15 =	simm.s32 $0x0;
	[smem:$0x7FF] =	sst s2;
	s8 =	sshll.u32 s1, $0xB  }
0x8: {  	s9 =	sshll.u32 s1, $0x7;
	s7 =	sand.u32 $0x1, s7;
	s10 =	sshll.u32 s1, $0x1  }
0x9: {  	_ =	strace $0x80000047;
	s8 =	sor.u32 s9, s8;
	s11 =	ssub.s32 $0x2, s7  }
0xa: {  	s10 =	sor.u32 s7, s10;
	s13 =	smul.u32 $0x1080, s7;
	s5 =	sadd.s32 s5, s9  }
0xb: {  	s9 =	simm.s32 $0x400;
	s8 =	sand.u32 $0x4380, s8;
	s12 =	sshrl.u32 s11, $0x1  }
0xc: {  	s10 =	smul.u32 $0x1080, s10;
	s8 =	sshrl.u32 s8, $0x3;
	s11 =	ssub.s32 s11, s12  }
0xd: {  	s12 =	simm.s32 $0x1000;
	v0 =	vmov s13;
	s13 =	simm.s32 $0x1400;
	s3 =	sadd.s32 s3, s8  }
0xe: {  	s4 =	sadd.s32 s4, s8;
	s6 =	sadd.s32 s6, s10;
	s7 =	smax.u32 s11, $0x1  }
0xf: {  	v1 =	vimm.f32 $0.0e+00;
	v2 =	vimm.s32 $0x0;
	s8 =	simm.s32 $0x80;
	s10 =	simm.s32 $0x1;
	s11 =	simm.s32 $0x800  }
.LBB2_1:
0x10: {  	[tilespmem:s2], [sflag:$0x1] =	stream.strided.gather [hbm4b:s3+s8], $0x800, s9, s8, $0x38;
	[tilespmem:$0xA880] =	vst v63  }
0x11: {  	_ =	swait.ge [sflag:s10], $0x800  }
0x12: {  	[sflag:s10] =	ssyncset.done $0x0  }
0x13: {  	[sflag:s10] =	ssyncadd.s32 $0xFFFFF800  }
0x14: {  	[tilespmem:s11], [sflag:$0x1] =	stream.strided.gather [hbm4b:s4+s8], $0x800, s9, s8, $0x38;
	[tilespmem:$0xA880] =	vst v63  }
0x15: {  	_ =	swait.ge [sflag:s10], $0x800  }
0x16: {  	[sflag:s10] =	ssyncset.done $0x0  }
0x17: {  	[sflag:s10] =	ssyncadd.s32 $0xFFFFF800  }
0x18: {  	[tilespmem:s12], [sflag:$0x1] =	stream.linear.gather [hbm4b:s5+s2], $0x400, $0x38;
	[tilespmem:$0xA880] =	vst v63  }
0x19: {  	_ =	swait.ge [sflag:s10], $0x400  }
0x1a: {  	[sflag:s10] =	ssyncset.done $0x0  }
0x1b: {  	s16 =	simm.s32 $0x1440;
	[sflag:s10] =	ssyncadd.s32 $0xFFFFFC00  }
0x1c: {  	[tilespmem:s16+$0x30] =	vst v1  }
0x1d: {  	[tilespmem:s16+$0xFFFFFFF0] =	vst v1  }
0x1e: {  	[tilespmem:s16+$0xFFFFFFC0] =	vst v1  }
0x1f: {  	[tilespmem:s16+$0xFFFFFFE0] =	vst v1  }
0x20: {  	[tilespmem:s16+$0x10] =	vst v1  }
0x21: {  	[tilespmem:s16+$0x20] =	vst v1  }
0x22: {  	[tilespmem:s16+$0x0] =	vst v1  }
0x23: {  	s19 =	simm.s32 $0x9840;
	[tilespmem:s16+$0xFFFFFFD0] =	vst v1  }
0x24: {  	[tilespmem:s19+$0xFFFFFFC0] =	vst v2  }
0x25: {  	[tilespmem:s19+$0x30] =	vst v2  }
0x26: {  	[tilespmem:s19+$0x20] =	vst v2  }
0x27: {  	[tilespmem:s19+$0x10] =	vst v2  }
0x28: {  	[tilespmem:s19+$0xFFFFFFE0] =	vst v2  }
0x29: {  	[tilespmem:s19+$0x0] =	vst v2  }
0x2a: {  	s20 =	simm.s32 $0x0;
	s17 =	simm.s32 $0x820;
	s18 =	simm.s32 $0x20;
	[tilespmem:s19+$0xFFFFFFF0] =	vst v2  }
.LBB2_2:
0x2b: {  	s20 =	sadd.s32 $0x8, s20;
	[tilespmem:s19+$0xFFFFFFD0] =	vst v2;
	s16 =	sadd.s32 $0x400, s16;
	s19 =	sadd.s32 $0x80, s19  }
0x2c: {  	[tilespmem:s16+$0x30] =	vst v1;
	p0 =	slt.u32 s20, $0x100  }
0x2d: {  	[tilespmem:s16+$0xFFFFFFF0] =	vst v1  }
0x2e: {  	[tilespmem:s16+$0xFFFFFFC0] =	vst v1  }
0x2f: {  	[tilespmem:s19+$0xFFFFFFC0] =	vst v2  }
0x30: {  	[tilespmem:s19+$0x30] =	vst v2  }
0x31: {  	[tilespmem:s16+$0xFFFFFFE0] =	vst v1  }
0x32: {  	[tilespmem:s16+$0x10] =	vst v1  }
0x33: {  	[tilespmem:s16+$0x20] =	vst v1  }
0x34: {  	[tilespmem:s19+$0x20] =	vst v2  }
0x35: {  	[tilespmem:s19+$0x10] =	vst v2  }
.Ltmp0:
0x36: {  	[tilespmem:s19+$0xFFFFFFE0] =	vst v2;
	(pc) =	sbr.rel @p0 .LBB2_2-.Ltmp0, $4  }
0x37: {  	[tilespmem:s16+$0x0] =	vst v1  }
0x38: {  	[tilespmem:s19+$0x0] =	vst v2  }
0x39: {  	[tilespmem:s19+$0xFFFFFFF0] =	vst v2  }
0x3a: {  	s21 =	simm.s32 $0x0;
	[tilespmem:s16+$0xFFFFFFD0] =	vst v1  }
0x3b: {  	[tilespmem:s19+$0xFFFFFFD0] =	vst v2  }
.LBB2_4:
0x3c: {  	v3 =	vld [tilespmem:s18+$0xFFFFFFE0];
	_ =	sdelay $0x4  }
0x3d: {  	v3 =	vsub.s32 v3, v0  }
0x3e: {  	vm0 =	vgt.s32 v3, $0x0  }
0x3f: {  	v4 =	vnsel vm0, $0x0, v3  }
0x40: {  	v4 =	vmin.u32 v4, $0x107F  }
0x41: {  	v5 =	vshll.u32 v4, $0x3  }
0x42: {  	vm6 =	vlt.u32 v3, $0x1080;
	v3 =	vand.u32 $0x7F, v4;
	v5 =	vand.u32 $0xFC00, v5  }
0x43: {  	v3 =	vor.u32 v3, v5;
	_ =	sdelay $0x3  }
0x44: {  	v51 =	vld [tilespmem:s17+$0xFFFFFFE0]  }
0x45: {  	v6 =	vld.idx.msk [tilespmem:v3+s13+$0x0], vm6;
	_ =	sdelay $0x4  }
0x46: {  	vm1 =	vgt.f32 v51, v6  }
0x47: {  	vm0 =	vmand vm6, vm1;
	_ =	sdelay $0x5  }
0x48: {  	v52 =	vmov s21;
	[tilespmem:v3+s13+$0x0] =	vst.idx.msk vm0, v51  }
0x49: {  	[tilespmem:v4+s14+$0x0] =	vst.idx.msk vm0, v52  }
0x4a: {  	v3 =	vld [tilespmem:s18+$0xFFFFFFF0];
	_ =	sdelay $0x4  }
0x4b: {  	v3 =	vsub.s32 v3, v0  }
0x4c: {  	vm7 =	vgt.s32 v3, $0x0  }
0x4d: {  	v53 =	vnsel vm7, $0x0, v3  }
0x4e: {  	v4 =	vmin.u32 v53, $0x107F  }
0x4f: {  	v54 =	vshll.u32 v4, $0x3  }
0x50: {  	vm8 =	vlt.u32 v3, $0x1080;
	v3 =	vand.u32 $0x7F, v4;
	v5 =	vand.u32 $0xFC00, v54  }
0x51: {  	v3 =	vor.u32 v3, v5;
	_ =	sdelay $0x3  }
0x52: {  	v55 =	vld [tilespmem:s17+$0xFFFFFFF0]  }
0x53: {  	v7 =	vld.idx.msk [tilespmem:v3+s13+$0x0], vm8;
	_ =	sdelay $0x4  }
0x54: {  	vm9 =	vgt.f32 v55, v7  }
0x55: {  	vm0 =	vmand vm8, vm9;
	_ =	sdelay $0x5  }
0x56: {  	[tilespmem:v3+s13+$0x0] =	vst.idx.msk vm0, v55  }
0x57: {  	[tilespmem:v4+s14+$0x0] =	vst.idx.msk vm0, v52  }
0x58: {  	v3 =	vld [tilespmem:s18+$0x0];
	_ =	sdelay $0x4  }
0x59: {  	v3 =	vsub.s32 v3, v0  }
0x5a: {  	vm10 =	vgt.s32 v3, $0x0  }
0x5b: {  	v56 =	vnsel vm10, $0x0, v3  }
0x5c: {  	v4 =	vmin.u32 v56, $0x107F  }
0x5d: {  	v57 =	vshll.u32 v4, $0x3  }
0x5e: {  	vm11 =	vlt.u32 v3, $0x1080;
	v3 =	vand.u32 $0x7F, v4;
	v5 =	vand.u32 $0xFC00, v57  }
0x5f: {  	v3 =	vor.u32 v3, v5;
	_ =	sdelay $0x3  }
0x60: {  	v58 =	vld [tilespmem:s17+$0x0]  }
0x61: {  	v6 =	vld.idx.msk [tilespmem:v3+s13+$0x0], vm11;
	_ =	sdelay $0x4  }
0x62: {  	vm12 =	vgt.f32 v58, v6  }
0x63: {  	vm0 =	vmand vm11, vm12;
	_ =	sdelay $0x4  }
0x64: {  	s16 =	sadd.s32 $0x1, s21  }
0x65: {  	v59 =	vmov s16;
	[tilespmem:v3+s13+$0x0] =	vst.idx.msk vm0, v58  }
0x66: {  	[tilespmem:v4+s14+$0x0] =	vst.idx.msk vm0, v59  }
0x67: {  	v3 =	vld [tilespmem:s18+$0x10];
	_ =	sdelay $0x4  }
0x68: {  	v3 =	vsub.s32 v3, v0  }
0x69: {  	vm13 =	vgt.s32 v3, $0x0  }
0x6a: {  	v60 =	vnsel vm13, $0x0, v3  }
0x6b: {  	v4 =	vmin.u32 v60, $0x107F  }
0x6c: {  	v61 =	vshll.u32 v4, $0x3  }
0x6d: {  	vm14 =	vlt.u32 v3, $0x1080;
	v3 =	vand.u32 $0x7F, v4;
	v5 =	vand.u32 $0xFC00, v61  }
0x6e: {  	v3 =	vor.u32 v3, v5;
	_ =	sdelay $0x3  }
0x6f: {  	v62 =	vld [tilespmem:s17+$0x10]  }
0x70: {  	v63 =	vld.idx.msk [tilespmem:v3+s13+$0x0], vm14;
	_ =	sdelay $0x4  }
0x71: {  	vm15 =	vgt.f32 v62, v63  }
0x72: {  	vm0 =	vmand vm14, vm15;
	_ =	sdelay $0x1  }
0x73: {  	p0 =	slt.u32 s21, $0x3E  }
.Ltmp1:
0x74: {  	_ = 	snop;
	(pc) =	sbr.rel @p0 .LBB2_4-.Ltmp1, $3  }
0x75: {  	_ =	sdelay $0x1  }
0x76: {  	s21 =	sadd.s32 $0x2, s21;
	s20 =	simm.s32 $0xFFFFFFF8;
	s19 =	simm.s32 $0x9840;
	[tilespmem:v3+s13+$0x0] =	vst.idx.msk vm0, v62  }
0x77: {  	s16 =	simm.s32 $0x1580;
	s17 =	sadd.s32 $0x40, s17;
	s18 =	sadd.s32 $0x40, s18;
	[tilespmem:v4+s14+$0x0] =	vst.idx.msk vm0, v59  }
0x78: {  	v3 =	vld [tilespmem:s19+$0x30]  }
0x79: {  	v4 =	vld [tilespmem:s19+$0xFFFFFFD0]  }
0x7a: {  	v5 =	vld [tilespmem:s19+$0xFFFFFFE0]  }
0x7b: {  	v6 =	vld [tilespmem:s19+$0xFFFFFFF0]  }
0x7c: {  	v7 =	vld [tilespmem:s19+$0x0]  }
0x7d: {  	v8 =	vld [tilespmem:s19+$0x10]  }
0x7e: {  	v9 =	vld [tilespmem:s19+$0x20]  }
0x7f: {  	v10 =	vld [tilespmem:s19+$0xFFFFFFC0]  }
0x80: {  	v11 =	vld.idx.msk [tilespmem:v3+s12+$0x0], $0xffff  }
0x81: {  	v12 =	vld.idx.msk [tilespmem:v4+s12+$0x0], $0xffff  }
0x82: {  	v13 =	vld.idx.msk [tilespmem:v5+s12+$0x0], $0xffff  }
0x83: {  	v14 =	vadd.s32 $0x80, v3;
	v15 =	vld.idx.msk [tilespmem:v6+s12+$0x0], $0xffff  }
0x84: {  	v16 =	vadd.s32 $0x80, v4;
	v17 =	vld.idx.msk [tilespmem:v7+s12+$0x0], $0xffff  }
0x85: {  	v18 =	vadd.s32 $0x80, v5;
	v19 =	vld.idx.msk [tilespmem:v8+s12+$0x0], $0xffff  }
0x86: {  	v20 =	vadd.s32 $0x80, v6;
	v21 =	vld.idx.msk [tilespmem:v9+s12+$0x0], $0xffff;
	[tilespmem:s16+$0xFFFFFF70] =	vst v11  }
0x87: {  	v40 =	vadd.s32 $0x80, v8;
	v22 =	vld.idx.msk [tilespmem:v10+s12+$0x0], $0xffff;
	[tilespmem:s16+$0xFFFFFF10] =	vst v12  }
0x88: {  	v43 =	vadd.s32 $0x80, v10;
	[tilespmem:s16+$0xFFFFFF20] =	vst v13;
	v39 =	vld.idx.msk [tilespmem:v14+s12+$0x0], $0xffff  }
0x89: {  	v44 =	vadd.s32 $0x80, v9;
	[tilespmem:s16+$0xFFFFFF30] =	vst v15;
	v41 =	vld.idx.msk [tilespmem:v16+s12+$0x0], $0xffff  }
0x8a: {  	v11 =	vadd.s32 $0x80, v7;
	[tilespmem:s16+$0xFFFFFF40] =	vst v17;
	v18 =	vld.idx.msk [tilespmem:v18+s12+$0x0], $0xffff  }
0x8b: {  	v42 =	vadd.s32 $0x100, v3;
	[tilespmem:s16+$0xFFFFFF50] =	vst v19;
	v20 =	vld.idx.msk [tilespmem:v20+s12+$0x0], $0xffff  }
0x8c: {  	v45 =	vadd.s32 $0x100, v4;
	[tilespmem:s16+$0xFFFFFF00] =	vst v22;
	v14 =	vld.idx.msk [tilespmem:v40+s12+$0x0], $0xffff  }
0x8d: {  	v46 =	vadd.s32 $0x100, v5;
	[tilespmem:s16+$0xFFFFFF60] =	vst v21;
	v16 =	vld.idx.msk [tilespmem:v43+s12+$0x0], $0xffff  }
0x8e: {  	v47 =	vadd.s32 $0x100, v6;
	v49 =	vld.idx.msk [tilespmem:v44+s12+$0x0], $0xffff;
	[tilespmem:s16+$0xFFFFFFF0] =	vst v39  }
0x8f: {  	v51 =	vadd.s32 $0x100, v10;
	v11 =	vld.idx.msk [tilespmem:v11+s12+$0x0], $0xffff;
	[tilespmem:s16+$0xFFFFFF90] =	vst v41  }
0x90: {  	v52 =	vadd.s32 $0x100, v8;
	[tilespmem:s16+$0xFFFFFFA0] =	vst v18;
	v15 =	vld.idx.msk [tilespmem:v42+s12+$0x0], $0xffff  }
0x91: {  	v48 =	vadd.s32 $0x100, v7;
	[tilespmem:s16+$0xFFFFFFB0] =	vst v20;
	v19 =	vld.idx.msk [tilespmem:v45+s12+$0x0], $0xffff  }
0x92: {  	v50 =	vadd.s32 $0x180, v3;
	[tilespmem:s16+$0xFFFFFFD0] =	vst v14;
	v21 =	vld.idx.msk [tilespmem:v46+s12+$0x0], $0xffff  }
0x93: {  	v53 =	vadd.s32 $0x180, v4;
	[tilespmem:s16+$0xFFFFFF80] =	vst v16;
	v12 =	vld.idx.msk [tilespmem:v47+s12+$0x0], $0xffff  }
0x94: {  	v54 =	vadd.s32 $0x180, v5;
	[tilespmem:s16+$0xFFFFFFE0] =	vst v49;
	v18 =	vld.idx.msk [tilespmem:v51+s12+$0x0], $0xffff  }
0x95: {  	v56 =	vadd.s32 $0x180, v6;
	v57 =	vld.idx.msk [tilespmem:v52+s12+$0x0], $0xffff;
	[tilespmem:s16+$0xFFFFFFC0] =	vst v11  }
0x96: {  	v11 =	vadd.s32 $0x100, v9;
	v22 =	vld.idx.msk [tilespmem:v48+s12+$0x0], $0xffff;
	[tilespmem:s16+$0x70] =	vst v15  }
0x97: {  	v59 =	vadd.s32 $0x180, v7;
	[tilespmem:s16+$0x10] =	vst v19;
	v55 =	vld.idx.msk [tilespmem:v50+s12+$0x0], $0xffff  }
0x98: {  	v3 =	vadd.s32 $0x200, v3;
	[tilespmem:s16+$0x20] =	vst v21;
	v14 =	vld.idx.msk [tilespmem:v53+s12+$0x0], $0xffff  }
0x99: {  	v58 =	vadd.s32 $0x180, v10;
	[tilespmem:s16+$0x30] =	vst v12;
	v15 =	vld.idx.msk [tilespmem:v54+s12+$0x0], $0xffff  }
0x9a: {  	v4 =	vadd.s32 $0x200, v4;
	[tilespmem:s16+$0x0] =	vst v18;
	v17 =	vld.idx.msk [tilespmem:v56+s12+$0x0], $0xffff  }
0x9b: {  	v60 =	vadd.s32 $0x180, v8;
	v11 =	vld.idx.msk [tilespmem:v11+s12+$0x0], $0xffff;
	[tilespmem:s16+$0x40] =	vst v22  }
0x9c: {  	v61 =	vadd.s32 $0x180, v9;
	v62 =	vld.idx.msk [tilespmem:v59+s12+$0x0], $0xffff;
	[tilespmem:s16+$0xF0] =	vst v55  }
0x9d: {  	[tilespmem:s16+$0x50] =	vst v57;
	v16 =	vld.idx.msk [tilespmem:v3+s12+$0x0], $0xffff;
	v3 =	vadd.s32 $0x200, v5  }
0x9e: {  	v6 =	vadd.s32 $0x200, v6;
	[tilespmem:s16+$0x90] =	vst v14;
	v5 =	vld.idx.msk [tilespmem:v58+s12+$0x0], $0xffff  }
0x9f: {  	v7 =	vadd.s32 $0x200, v7;
	[tilespmem:s16+$0xA0] =	vst v15;
	v14 =	vld.idx.msk [tilespmem:v4+s12+$0x0], $0xffff  }
0xa0: {  	v10 =	vadd.s32 $0x200, v10;
	[tilespmem:s16+$0x60] =	vst v11;
	v11 =	vld.idx.msk [tilespmem:v60+s12+$0x0], $0xffff  }
0xa1: {  	v8 =	vadd.s32 $0x200, v8;
	[tilespmem:s16+$0xB0] =	vst v17;
	v63 =	vld.idx.msk [tilespmem:v61+s12+$0x0], $0xffff  }
0xa2: {  	v9 =	vadd.s32 $0x200, v9;
	[tilespmem:s16+$0xC0] =	vst v62;
	v3 =	vld.idx.msk [tilespmem:v3+s12+$0x0], $0xffff  }
0xa3: {  	[tilespmem:s16+$0x80] =	vst v5;
	v5 =	vld.idx.msk [tilespmem:v6+s12+$0x0], $0xffff  }
0xa4: {  	[tilespmem:s16+$0x170] =	vst v16;
	v6 =	vld.idx.msk [tilespmem:v7+s12+$0x0], $0xffff  }
0xa5: {  	v4 =	vld.idx.msk [tilespmem:v10+s12+$0x0], $0xffff;
	[tilespmem:s16+$0xD0] =	vst v11  }
0xa6: {  	v7 =	vld.idx.msk [tilespmem:v8+s12+$0x0], $0xffff;
	[tilespmem:s16+$0xE0] =	vst v63  }
0xa7: {  	s17 =	sadd.s32 $0x8, s20;
	s18 =	sadd.s32 $0x80, s19;
	[tilespmem:s16+$0x110] =	vst v14;
	v8 =	vld.idx.msk [tilespmem:v9+s12+$0x0], $0xffff  }
.LBB2_6:
0xa8: {  	v9 =	vld [tilespmem:s18+$0x30];
	s17 =	sadd.s32 $0x8, s17;
	[tilespmem:s16+$0x120] =	vst v3  }
0xa9: {  	v3 =	vld [tilespmem:s18+$0xFFFFFFD0];
	p0 =	slt.u32 s17, $0x100;
	[tilespmem:s16+$0x130] =	vst v5  }
0xaa: {  	v5 =	vld [tilespmem:s18+$0xFFFFFFE0];
	[tilespmem:s16+$0x100] =	vst v4  }
0xab: {  	v4 =	vld [tilespmem:s18+$0xFFFFFFF0];
	[tilespmem:s16+$0x140] =	vst v6  }
0xac: {  	v6 =	vld [tilespmem:s18+$0x0];
	[tilespmem:s16+$0x150] =	vst v7  }
0xad: {  	v7 =	vld [tilespmem:s18+$0x10];
	[tilespmem:s16+$0x160] =	vst v8  }
0xae: {  	v8 =	vadd.s32 $0x80, v3;
	v10 =	vadd.s32 $0x100, v3;
	v11 =	vadd.s32 $0x180, v3;
	v12 =	vld [tilespmem:s18+$0x20]  }
0xaf: {  	v13 =	vld [tilespmem:s18+$0xFFFFFFC0];
	v14 =	vadd.s32 $0x80, v5;
	v15 =	vadd.s32 $0x100, v5;
	v16 =	vadd.s32 $0x180, v5  }
0xb0: {  	v17 =	vadd.s32 $0x80, v4;
	v18 =	vadd.s32 $0x100, v4;
	v19 =	vadd.s32 $0x180, v4;
	v20 =	vld.idx.msk [tilespmem:v9+s12+$0x0], $0xffff  }
0xb1: {  	v21 =	vld.idx.msk [tilespmem:v3+s12+$0x0], $0xffff;
	v22 =	vadd.s32 $0x80, v6;
	v23 =	vadd.s32 $0x100, v6;
	v24 =	vadd.s32 $0x180, v6  }
0xb2: {  	v28 =	vadd.s32 $0x80, v9;
	v25 =	vld.idx.msk [tilespmem:v5+s12+$0x0], $0xffff;
	v26 =	vadd.s32 $0x80, v7;
	v27 =	vadd.s32 $0x100, v7  }
0xb3: {  	v30 =	vadd.s32 $0x180, v7;
	v29 =	vld.idx.msk [tilespmem:v4+s12+$0x0], $0xffff;
	v31 =	vadd.s32 $0x80, v12;
	v32 =	vadd.s32 $0x100, v12  }
0xb4: {  	v33 =	vadd.s32 $0x80, v13;
	v34 =	vadd.s32 $0x100, v13;
	v35 =	vadd.s32 $0x180, v13;
	v36 =	vld.idx.msk [tilespmem:v6+s12+$0x0], $0xffff  }
0xb5: {  	s16 =	sadd.s32 $0x400, s16;
	v3 =	vadd.s32 $0x200, v3;
	v39 =	vadd.s32 $0x180, v12;
	v37 =	vadd.s32 $0x200, v13;
	v38 =	vld.idx.msk [tilespmem:v7+s12+$0x0], $0xffff  }
0xb6: {  	v5 =	vadd.s32 $0x200, v5;
	v4 =	vadd.s32 $0x200, v4;
	v6 =	vadd.s32 $0x200, v6;
	v40 =	vld.idx.msk [tilespmem:v12+s12+$0x0], $0xffff;
	[tilespmem:s16+$0xFFFFFF70] =	vst v20  }
0xb7: {  	v7 =	vadd.s32 $0x200, v7;
	v12 =	vadd.s32 $0x200, v12;
	[tilespmem:s16+$0xFFFFFF10] =	vst v21;
	v20 =	vld.idx.msk [tilespmem:v28+s12+$0x0], $0xffff  }
0xb8: {  	v13 =	vld.idx.msk [tilespmem:v13+s12+$0x0], $0xffff;
	[tilespmem:s16+$0xFFFFFF20] =	vst v25  }
0xb9: {  	v21 =	vadd.s32 $0x100, v9;
	v8 =	vld.idx.msk [tilespmem:v8+s12+$0x0], $0xffff;
	[tilespmem:s16+$0xFFFFFF30] =	vst v29  }
0xba: {  	v14 =	vld.idx.msk [tilespmem:v14+s12+$0x0], $0xffff;
	[tilespmem:s16+$0xFFFFFF40] =	vst v36  }
0xbb: {  	v17 =	vld.idx.msk [tilespmem:v17+s12+$0x0], $0xffff;
	[tilespmem:s16+$0xFFFFFF50] =	vst v38  }
0xbc: {  	v22 =	vld.idx.msk [tilespmem:v22+s12+$0x0], $0xffff;
	[tilespmem:s16+$0xFFFFFF60] =	vst v40  }
0xbd: {  	v25 =	vld.idx.msk [tilespmem:v26+s12+$0x0], $0xffff;
	[tilespmem:s16+$0xFFFFFFF0] =	vst v20  }
0xbe: {  	[tilespmem:s16+$0xFFFFFF00] =	vst v13;
	v13 =	vld.idx.msk [tilespmem:v21+s12+$0x0], $0xffff  }
0xbf: {  	v20 =	vld.idx.msk [tilespmem:v33+s12+$0x0], $0xffff;
	[tilespmem:s16+$0xFFFFFF90] =	vst v8  }
0xc0: {  	[tilespmem:s16+$0xFFFFFFA0] =	vst v14;
	v8 =	vld.idx.msk [tilespmem:v31+s12+$0x0], $0xffff;
	v14 =	vadd.s32 $0x180, v9  }
0xc1: {  	v10 =	vld.idx.msk [tilespmem:v10+s12+$0x0], $0xffff;
	[tilespmem:s16+$0xFFFFFFB0] =	vst v17  }
0xc2: {  	v15 =	vld.idx.msk [tilespmem:v15+s12+$0x0], $0xffff;
	[tilespmem:s16+$0xFFFFFFC0] =	vst v22  }
0xc3: {  	v17 =	vld.idx.msk [tilespmem:v18+s12+$0x0], $0xffff;
	[tilespmem:s16+$0xFFFFFFD0] =	vst v25  }
0xc4: {  	v18 =	vld.idx.msk [tilespmem:v23+s12+$0x0], $0xffff;
	[tilespmem:s16+$0x70] =	vst v13  }
0xc5: {  	[tilespmem:s16+$0xFFFFFF80] =	vst v20;
	v13 =	vld.idx.msk [tilespmem:v14+s12+$0x0], $0xffff  }
0xc6: {  	v14 =	vld.idx.msk [tilespmem:v34+s12+$0x0], $0xffff;
	[tilespmem:s16+$0xFFFFFFE0] =	vst v8  }
0xc7: {  	v9 =	vadd.s32 $0x200, v9;
	[tilespmem:s16+$0x10] =	vst v10;
	v8 =	vld.idx.msk [tilespmem:v27+s12+$0x0], $0xffff  }
0xc8: {  	[tilespmem:s16+$0x20] =	vst v15;
	v10 =	vld.idx.msk [tilespmem:v32+s12+$0x0], $0xffff  }
0xc9: {  	v11 =	vld.idx.msk [tilespmem:v11+s12+$0x0], $0xffff;
	[tilespmem:s16+$0x30] =	vst v17  }
0xca: {  	v15 =	vld.idx.msk [tilespmem:v16+s12+$0x0], $0xffff;
	[tilespmem:s16+$0x40] =	vst v18  }
0xcb: {  	v16 =	vld.idx.msk [tilespmem:v19+s12+$0x0], $0xffff;
	[tilespmem:s16+$0xF0] =	vst v13  }
0xcc: {  	[tilespmem:s16+$0x0] =	vst v14;
	v9 =	vld.idx.msk [tilespmem:v9+s12+$0x0], $0xffff  }
0xcd: {  	v13 =	vld.idx.msk [tilespmem:v35+s12+$0x0], $0xffff;
	[tilespmem:s16+$0x50] =	vst v8  }
0xce: {  	v8 =	vld.idx.msk [tilespmem:v24+s12+$0x0], $0xffff;
	[tilespmem:s16+$0x60] =	vst v10  }
0xcf: {  	[tilespmem:s16+$0x90] =	vst v11;
	v10 =	vld.idx.msk [tilespmem:v30+s12+$0x0], $0xffff  }
0xd0: {  	[tilespmem:s16+$0xA0] =	vst v15;
	v11 =	vld.idx.msk [tilespmem:v39+s12+$0x0], $0xffff  }
0xd1: {  	v14 =	vld.idx.msk [tilespmem:v3+s12+$0x0], $0xffff;
	[tilespmem:s16+$0xB0] =	vst v16  }
0xd2: {  	v3 =	vld.idx.msk [tilespmem:v5+s12+$0x0], $0xffff;
	[tilespmem:s16+$0x170] =	vst v9  }
.Ltmp2:
0xd3: {  	[tilespmem:s16+$0x80] =	vst v13;
	v5 =	vld.idx.msk [tilespmem:v4+s12+$0x0], $0xffff;
	(pc) =	sbr.rel @p0 .LBB2_6-.Ltmp2, $4  }
0xd4: {  	v4 =	vld.idx.msk [tilespmem:v37+s12+$0x0], $0xffff;
	[tilespmem:s16+$0xC0] =	vst v8  }
0xd5: {  	v6 =	vld.idx.msk [tilespmem:v6+s12+$0x0], $0xffff;
	[tilespmem:s16+$0xD0] =	vst v10  }
0xd6: {  	v7 =	vld.idx.msk [tilespmem:v7+s12+$0x0], $0xffff;
	[tilespmem:s16+$0xE0] =	vst v11  }
0xd7: {  	s18 =	sadd.s32 $0x80, s18;
	[tilespmem:s16+$0x110] =	vst v14;
	v8 =	vld.idx.msk [tilespmem:v12+s12+$0x0], $0xffff  }
0xd8: {  	[tilespmem:s16+$0x120] =	vst v3  }
0xd9: {  	[tilespmem:s16+$0x130] =	vst v5  }
0xda: {  	[tilespmem:s16+$0x100] =	vst v4  }
0xdb: {  	s15 =	sadd.s32 $0x1, s15;
	[tilespmem:s16+$0x140] =	vst v6  }
0xdc: {  	p0 =	sne.s32 s15, s7;
	[tilespmem:s16+$0x150] =	vst v7  }
.Ltmp3:
0xdd: {  	[tilespmem:s16+$0x160] =	vst v8;
	(pc) =	sbr.rel @p0 .LBB2_1-.Ltmp3, $4  }
0xde: {  	[hbm4b:s6+s2] =	stream.linear.scatter [tilespmem:s13], [sflag:$0x1], $0x8400, $0x38;
	[tilespmem:$0xA880] =	vst v63  }
0xdf: {  	_ =	swait.ge [sflag:s10], $0x8400  }
0xe0: {  	[sflag:s10] =	ssyncset.done $0x0  }
0xe1: {  	[sflag:s10] =	ssyncadd.s32 $0xFFFF7C00  }
0xe2: {  	_ =	sfence.sel $0x180000  }
0xe3: {  	[bflag:$0x0] =	sbarrier.arrive $0xFFFF  }
0xe4: {  	p0 =	sne.s32 s1, $0x0;
	_ =	strace $0x90000047  }
0xe5: {  	s0 =	sadd.s32 @!p0 $0x100000, s0;
	[bflag:$0x2] =	sbarrier.arrive $0xFFFF  }
0xe6: {  	[sflag:s0] =	ssyncadd.tile.s32 @!p0 $0x1;
	_ =	shalt  }
.Lfunc_end2:
_tile_overlayer_lowered:
.L_overlay_start_2:
0xe7: {  	(tag) =	ssettag $0x2  }
0xe8: {  	s0 =	rddreg [dreg:$0x0];
	s2 =	stileid.u32  }
0xe9: {  	s1 =	rddreg [dreg:$0x1];
	p0 =	sne.s32 s2, $0x0  }
0xea: {  	s3 =	rddreg [dreg:$0x2];
	[bflag:$0x3] =	sbarrier.arrive $0xFFFF;
	s2 =	simm.s32 @!p0 $0x1C01  }
0xeb: {  	[timem:s3], [sflag:s2] =	dma.local @!p0 [hbm:s0], s1  }
0xec: {  	s0 =	simm.s32 @!p0 $0x1  }
0xed: {  	_ =	swait.ge @!p0 [sflag:s0], s1  }
0xee: {  	s1 =	ssub.s32 @!p0 $0x0, s1;
	[sflag:s0] =	ssyncset.done @!p0 $0x0  }
0xef: {  	[sflag:s0] =	ssyncadd.s32 @!p0 s1  }
0xf0: {  	[bflag:$0x3] =	sbarrier.arrive $0xFFFF  }
0xf1: {  	_ =	shalt  }

</sc_bundles>
